<compile_context>
chip_gen: v7x
topology: tpu7x:2x2x1
jax: 0.10.2.dev20260603
libtpu: 0.0.44.dev20260713+nightly
codegen_flags: <defaults>
</compile_context>

<pallas_src>
import functools

import jax
import jax.numpy as jnp
from jax import lax
from jax.experimental import pallas as pl
from jax.experimental.pallas import tpu as pltpu
from jax.experimental.pallas import tpu_sc as plsc

N = 10000
D = 256
DH = 128
E = 160000
EP = 161792
CHUNK = 128
NCH = 79
PCH = 40
EPT_DEG = EP // 32
NR = 10112
RPT = NR // 16
HB = 10240
HPT = HB // 16
BLK = 5000
GRID = N // BLK


def _k1_body(x_ref, w1_ref, b1_ref, t_ref, stats_ref, acc_ref):
    i = pl.program_id(0)
    t = jnp.dot(x_ref[...], w1_ref[...], preferred_element_type=jnp.float32)
    t = t + b1_ref[...]
    t_ref[...] = t

    @pl.when(i == 0)
    def _():
        acc_ref[...] = jnp.zeros_like(acc_ref)

    acc_ref[0:1, :] += jnp.sum(t, axis=0, keepdims=True)
    acc_ref[1:2, :] += jnp.sum(t * t, axis=0, keepdims=True)

    @pl.when(i == GRID - 1)
    def _():
        stats_ref[...] = acc_ref[...]


def _k1(x, w1, b1r):
    return pl.pallas_call(
        _k1_body,
        grid=(GRID,),
        in_specs=[
            pl.BlockSpec((BLK, D), lambda i: (i, 0)),
            pl.BlockSpec((D, D), lambda i: (0, 0)),
            pl.BlockSpec((1, D), lambda i: (0, 0)),
        ],
        out_specs=[
            pl.BlockSpec((BLK, D), lambda i: (i, 0)),
            pl.BlockSpec((2, D), lambda i: (0, 0)),
        ],
        out_shape=[
            jax.ShapeDtypeStruct((N, D), jnp.float32),
            jax.ShapeDtypeStruct((2, D), jnp.float32),
        ],
        scratch_shapes=[pltpu.VMEM((2, D), jnp.float32)],
    )(x, w1, b1r)


def _k2_body(t_ref, stats_ref, gamma_ref, beta_ref, w2_ref, wg_ref, b2_ref,
             degp_ref, g2_ref, dinv_ref, wc_ref):
    i = pl.program_id(0)

    @pl.when(i == 0)
    def _():
        wc_ref[...] = jnp.dot(w2_ref[...], wg_ref[...],
                              preferred_element_type=jnp.float32)

    inv_n = 1.0 / N
    mean = stats_ref[0:1, :] * inv_n
    var = stats_ref[1:2, :] * inv_n - mean * mean
    a = gamma_ref[...] * lax.rsqrt(var + 1e-5)
    c = beta_ref[...] - mean * a
    r = jnp.maximum(t_ref[...] * a + c, 0.0)
    bc = jnp.dot(b2_ref[...], wg_ref[...], preferred_element_type=jnp.float32)
    hw = jnp.dot(r, wc_ref[...], preferred_element_type=jnp.float32) + bc
    deg = degp_ref[0, :, :] + degp_ref[1, :, :] + 1.0
    dinv = lax.rsqrt(deg)
    g = hw * dinv
    g2_ref[0, :, :] = g[:, :DH]
    g2_ref[1, :, :] = g[:, DH:]
    dinv_ref[...] = dinv


def _k2(t, stats, gamma_r, beta_r, w2, wg, b2r, degp):
    return pl.pallas_call(
        _k2_body,
        grid=(GRID,),
        in_specs=[
            pl.BlockSpec((BLK, D), lambda i: (i, 0)),
            pl.BlockSpec((2, D), lambda i: (0, 0)),
            pl.BlockSpec((1, D), lambda i: (0, 0)),
            pl.BlockSpec((1, D), lambda i: (0, 0)),
            pl.BlockSpec((D, D), lambda i: (0, 0)),
            pl.BlockSpec((D, D), lambda i: (0, 0)),
            pl.BlockSpec((1, D), lambda i: (0, 0)),
            pl.BlockSpec((2, BLK, 1), lambda i: (0, i, 0)),
        ],
        out_specs=[
            pl.BlockSpec((2, BLK, DH), lambda i: (0, i, 0)),
            pl.BlockSpec((BLK, 1), lambda i: (i, 0)),
        ],
        out_shape=[
            jax.ShapeDtypeStruct((2, N, DH), jnp.float32),
            jax.ShapeDtypeStruct((N, 1), jnp.float32),
        ],
        scratch_shapes=[pltpu.VMEM((D, D), jnp.float32)],
    )(t, stats, gamma_r, beta_r, w2, wg, b2r, degp)


def _k3_body(a_ref, g_ref, dinv_ref, bg_ref, out_ref):
    dinv = dinv_ref[...]
    left = (a_ref[0, :, :] + g_ref[0, :, :]) * dinv
    right = (a_ref[1, :, :] + g_ref[1, :, :]) * dinv
    out_ref[...] = jnp.concatenate([left, right], axis=1) + bg_ref[...]


def _k3(acc, g2, dinv2, bgr):
    return pl.pallas_call(
        _k3_body,
        grid=(GRID,),
        in_specs=[
            pl.BlockSpec((2, BLK, DH), lambda i: (0, i, 0)),
            pl.BlockSpec((2, BLK, DH), lambda i: (0, i, 0)),
            pl.BlockSpec((BLK, 1), lambda i: (i, 0)),
            pl.BlockSpec((1, D), lambda i: (0, 0)),
        ],
        out_specs=pl.BlockSpec((BLK, D), lambda i: (i, 0)),
        out_shape=jax.ShapeDtypeStruct((N, D), jnp.float32),
    )(acc, g2, dinv2, bgr)


def _sc_mesh():
    return plsc.VectorSubcoreMesh(core_axis_name="c", subcore_axis_name="s")


@functools.partial(
    pl.kernel,
    mesh=_sc_mesh(),
    compiler_params=pltpu.CompilerParams(needs_layout_passes=False),
    out_type=jax.ShapeDtypeStruct((2 * HB,), jnp.float32),
    scratch_types=[
        pltpu.VMEM((EPT_DEG,), jnp.int32),
        pltpu.VMEM((HB,), jnp.float32),
        pltpu.VMEM((HPT,), jnp.float32),
        pltpu.VMEM((HPT,), jnp.float32),
        pltpu.VMEM_SHARED((16, HB), jnp.float32),
    ],
)
def _s1_degree(cols_hbm, deg_hbm, cbuf, hist, acc, tmp, hist_sh):
    core = lax.axis_index("c")
    sid = lax.axis_index("s")
    wid = sid * 2 + core
    pltpu.sync_copy(cols_hbm.at[pl.ds(wid * EPT_DEG, EPT_DEG)], cbuf)

    zeros16 = jnp.zeros((16,), jnp.float32)
    ones16 = jnp.ones((16,), jnp.float32)

    def zh(i, carry):
        for u in range(4):
            hist[pl.ds(i * 64 + u * 16, 16)] = zeros16
        return carry

    lax.fori_loop(0, HB // 64, zh, 0)

    def scat(i, carry):
        for u in range(4):
            idx = cbuf[pl.ds(i * 64 + u * 16, 16)]
            plsc.addupdate_scatter(hist, [idx], ones16)
        return carry

    lax.fori_loop(0, EPT_DEG // 64, scat, 0)

    pltpu.sync_copy(hist, hist_sh.at[sid])
    plsc.subcore_barrier()

    def zacc(i, carry):
        acc[pl.ds(i * 16, 16)] = zeros16
        return carry

    lax.fori_loop(0, HPT // 16, zacc, 0)

    def red(t, carry):
        pltpu.sync_copy(hist_sh.at[t, pl.ds(sid * HPT, HPT)], tmp)

        def add(v, c2):
            for u in range(4):
                sl = pl.ds(v * 64 + u * 16, 16)
                acc[sl] += tmp[sl]
            return c2

        lax.fori_loop(0, HPT // 64, add, 0)
        return carry

    lax.fori_loop(0, 16, red, 0)
    pltpu.sync_copy(acc, deg_hbm.at[pl.ds(core * HB + sid * HPT, HPT)])


@functools.partial(
    pl.kernel,
    mesh=_sc_mesh(),
    compiler_params=pltpu.CompilerParams(needs_layout_passes=False),
    out_type=jax.ShapeDtypeStruct((2, NR, DH), jnp.float32),
    scratch_types=[
        pltpu.VMEM((PCH, CHUNK), jnp.int32),
        pltpu.VMEM((PCH, CHUNK), jnp.int32),
        pltpu.VMEM((2, CHUNK, DH), jnp.float32),
        pltpu.VMEM_SHARED((NR, DH), jnp.float32),
        pltpu.SemaphoreType.DMA,
    ],
)
def _s2_scatter(g2_hbm, rows_hbm, cols_hbm, out_hbm, ridx, cidx, rowbuf,
                a_sh, sem):
    core = lax.axis_index("c")
    sid = lax.axis_index("s")

    zeros16 = jnp.zeros((16,), jnp.float32)

    pltpu.async_copy(rows_hbm.at[sid, pl.ds(0, PCH)], ridx, sem)
    pltpu.async_copy(cols_hbm.at[sid, pl.ds(0, PCH)], cidx, sem)

    def zrow(i, carry):
        r = i // (DH // 16)
        v = i % (DH // 16)
        rowbuf[0, r, pl.ds(v * 16, 16)] = zeros16
        return carry

    lax.fori_loop(0, CHUNK * (DH // 16), zrow, 0)

    base = sid * RPT
    for k in range(RPT // CHUNK):
        pltpu.async_copy(rowbuf.at[0], a_sh.at[pl.ds(base + k * CHUNK, CHUNK)],
                         sem)
    rem = RPT % CHUNK
    if rem:
        pltpu.async_copy(rowbuf.at[0, pl.ds(0, rem)],
                         a_sh.at[pl.ds(base + (RPT // CHUNK) * CHUNK, rem)],
                         sem)
    pltpu.make_async_copy(rows_hbm.at[sid, pl.ds(0, PCH)], ridx, sem).wait()
    pltpu.make_async_copy(cols_hbm.at[sid, pl.ds(0, PCH)], cidx, sem).wait()
    for k in range(RPT // CHUNK):
        pltpu.make_async_copy(rowbuf.at[0],
                              a_sh.at[pl.ds(base + k * CHUNK, CHUNK)],
                              sem).wait()
    if rem:
        pltpu.make_async_copy(rowbuf.at[0, pl.ds(0, rem)],
                              a_sh.at[pl.ds(base + (RPT // CHUNK) * CHUNK,
                                            rem)], sem).wait()
    plsc.subcore_barrier()

    gsrc = g2_hbm.at[core]

    for p, nch in ((0, PCH), (1, NCH - PCH)):
        if p > 0:
            pltpu.sync_copy(rows_hbm.at[sid, pl.ds(p * PCH, PCH)], ridx)
            pltpu.sync_copy(cols_hbm.at[sid, pl.ds(p * PCH, PCH)], cidx)
        pltpu.async_copy(gsrc.at[ridx.at[0]], rowbuf.at[0], sem)

        def body(j, carry):
            b = lax.rem(j, 2)
            pltpu.make_async_copy(gsrc.at[ridx.at[j]], rowbuf.at[b],
                                  sem).wait()

            @pl.when(j + 1 < nch)
            def _():
                pltpu.async_copy(gsrc.at[ridx.at[j + 1]], rowbuf.at[1 - b],
                                 sem)

            pltpu.sync_copy(rowbuf.at[b], a_sh.at[cidx.at[j]], add=True)
            return carry

        lax.fori_loop(0, nch, body, 0)

    plsc.subcore_barrier()
    pltpu.sync_copy(a_sh.at[pl.ds(base, RPT)],
                    out_hbm.at[core, pl.ds(base, RPT)])


def kernel(x, edge_index, W1, b1, gamma, beta, W2, b2, Wg, bg):
    ei = edge_index.astype(jnp.int32)
    rows = ei[0]
    cols = ei[1]
    pad_dst = N + (jnp.arange(EP - E, dtype=jnp.int32) % (NR - N))
    rows_p = jnp.concatenate([rows, jnp.zeros((EP - E,), jnp.int32)])
    cols_p = jnp.concatenate([cols, pad_dst])
    dummy = jnp.zeros((16, 1, CHUNK), jnp.int32)
    rows3 = jnp.concatenate([rows_p.reshape(16, NCH, CHUNK), dummy], axis=1)
    cols3 = jnp.concatenate([cols_p.reshape(16, NCH, CHUNK), dummy], axis=1)

    t, stats = _k1(x, W1, b1.reshape(1, D))
    degp = _s1_degree(cols_p).reshape(2, HB)
    degp2 = degp[:, :N].reshape(2, N, 1)
    g2, dinv2 = _k2(t, stats, gamma.reshape(1, D), beta.reshape(1, D),
                    W2, Wg, b2.reshape(1, D), degp2)
    acc = _s2_scatter(g2, rows3, cols3)
    out = _k3(acc, g2, dinv2, bg.reshape(1, D))
    return out

# --- scband reference (transcript-rebuilt; emitter-appended) ---
"""Pipeline reference for scband-custom-gcnconv-ogb-10101763080475 (READ-ONLY COPY).

The authoritative reference and input builder live on the scoring server;
editing this copy changes nothing except your own understanding.
"""

import jax, jax.numpy as jnp
import numpy as np

N_NODES = 10000
N_EDGES = 160000
D_IN = 256
D_OUT = 256


def setup_inputs(seed: int = 0) -> dict:
    key = jax.random.key(seed)
    ks = jax.random.split(key, 10)
    x = jax.random.normal(ks[0], (N_NODES, D_IN), dtype=jnp.float32)
    edge_index = jax.random.randint(ks[1], (2, N_EDGES), 0, N_NODES, dtype=jnp.int64)
    s1 = 1.0 / np.sqrt(D_IN)
    s2 = 1.0 / np.sqrt(D_OUT)
    W1 = jax.random.uniform(ks[2], (D_IN, D_OUT), jnp.float32, -s1, s1)
    b1 = jax.random.uniform(ks[3], (D_OUT,), jnp.float32, -s1, s1)
    gamma = jnp.ones((D_OUT,), jnp.float32)
    beta = jnp.zeros((D_OUT,), jnp.float32)
    W2 = jax.random.uniform(ks[4], (D_OUT, D_OUT), jnp.float32, -s2, s2)
    b2 = jax.random.uniform(ks[5], (D_OUT,), jnp.float32, -s2, s2)
    Wg = jax.random.uniform(ks[6], (D_OUT, D_OUT), jnp.float32, -s2, s2)
    bg = jnp.zeros((D_OUT,), jnp.float32)
    return {"x": x, "edge_index": edge_index, "W1": W1, "b1": b1,
            "gamma": gamma, "beta": beta, "W2": W2, "b2": b2,
            "Wg": Wg, "bg": bg}


def reference(x, edge_index, W1, b1, gamma, beta, W2, b2, Wg, bg):
    # linear_1
    h = x @ W1 + b1
    # BatchNorm1d (training-mode forward: batch statistics)
    mean = jnp.mean(h, axis=0)
    var = jnp.var(h, axis=0)
    h = (h - mean) / jnp.sqrt(var + 1e-5)
    h = h * gamma + beta
    # ReLU
    h = jax.nn.relu(h)
    # linear_2
    h = h @ W2 + b2
    # GCNConv (PyG semantics: add self-loops, symmetric normalization)
    N = h.shape[0]
    loop = jnp.arange(N, dtype=edge_index.dtype)
    row = jnp.concatenate([edge_index[0], loop])
    col = jnp.concatenate([edge_index[1], loop])
    deg = jnp.zeros((N,), jnp.float32).at[col].add(1.0)
    deg_inv_sqrt = jnp.where(deg > 0, deg ** -0.5, 0.0)
    norm = deg_inv_sqrt[row] * deg_inv_sqrt[col]
    hw = h @ Wg
    msg = hw[row] * norm[:, None]
    out = jnp.zeros_like(hw).at[col].add(msg)
    out = out + bg
    return out

if __name__ == "__main__":
    import jax
    _d = setup_inputs()
    print(jax.jit(kernel)(*tuple(_d.values())))

</pallas_src>

<mosaic_0001>
#map = affine_map<(d0, d1) -> (0)>
module attributes {stable_mosaic.version = 14 : i64} {
  func.func @_s1_degree(%arg0: i32, %arg1: i32, %arg2: memref<161792xi32, #tpu.memory_space<hbm>>, %arg3: memref<20480xf32, #tpu.memory_space<hbm>>, %arg4: memref<5056xi32, #tpu.memory_space<vmem>>, %arg5: memref<10240xf32, #tpu.memory_space<vmem>>, %arg6: memref<640xf32, #tpu.memory_space<vmem>>, %arg7: memref<640xf32, #tpu.memory_space<vmem>>, %arg8: memref<16x10240xf32, #tpu.memory_space<vmem_shared>>) attributes {dimension_semantics = [#tpu.dimension_semantics<core_parallel>, #tpu.dimension_semantics<subcore_parallel>], iteration_bounds = array<i64: 2, 16>, scalar_prefetch = 0 : i64, scratch_operands = 5 : i64, tpu.core_type = #tpu.core_type<sc_vector_subcore>, window_params = [{transform_indices = #map}, {transform_indices = #map}]} {
    %mul3A = arith.constant 2 : i32
    %mul3A_0 = arith.muli %arg1, %mul3A : i32
    %add3A = arith.addi %mul3A_0, %arg0 : i32
    %mul3A_1 = arith.constant 5056 : i32
    %mul3A_2 = arith.muli %add3A, %mul3A_1 : i32
    "tpu.region"() ({
      %run_scoped3A = tpu.sem_alloc : memref<!tpu.dma_semaphore, #tpu.memory_space<semaphore_mem>>
      %dma_start3A = tpu.memref_slice %arg2[%mul3A_2] : memref<161792xi32, #tpu.memory_space<hbm>> -> memref<5056xi32, #tpu.memory_space<hbm>>
      %dma_start3A_34 = tpu.memref_slice %arg2[%mul3A_2] : memref<161792xi32, #tpu.memory_space<hbm>> -> memref<5056xi32, #tpu.memory_space<hbm>>
      tpu.enqueue_dma source(%dma_start3A_34 : memref<5056xi32, #tpu.memory_space<hbm>>) target(%arg4 : memref<5056xi32, #tpu.memory_space<vmem>>) target_semaphore(%run_scoped3A : memref<!tpu.dma_semaphore, #tpu.memory_space<semaphore_mem>>)
      %dma_wait3A = tpu.memref_slice %arg2[%mul3A_2] : memref<161792xi32, #tpu.memory_space<hbm>> -> memref<5056xi32, #tpu.memory_space<hbm>>
      %dma_wait3A_35 = tpu.memref_slice %arg2[%mul3A_2] : memref<161792xi32, #tpu.memory_space<hbm>> -> memref<5056xi32, #tpu.memory_space<hbm>>
      tpu.wait_dma2 semaphore(%run_scoped3A : memref<!tpu.dma_semaphore, #tpu.memory_space<semaphore_mem>>) src(%dma_wait3A_35 : memref<5056xi32, #tpu.memory_space<hbm>>) dst(%arg4 : memref<5056xi32, #tpu.memory_space<vmem>>)
      tpu.yield
    }) : () -> ()
    %broadcast_in_dim3A = arith.constant 0.000000e+00 : f32
    %broadcast_in_dim3A_3 = vector.broadcast %broadcast_in_dim3A : f32 to vector<16xf32>
    %broadcast_in_dim3A_4 = arith.constant 1.000000e+00 : f32
    %broadcast_in_dim3A_5 = vector.broadcast %broadcast_in_dim3A_4 : f32 to vector<16xf32>
    %scan3A = arith.constant 0 : i32
    %scan3A_6 = arith.constant 0 : i32
    %scan3A_7 = arith.constant 160 : i32
    %scan3A_8 = arith.addi %scan3A_6, %scan3A_7 : i32
    %scan3A_9 = arith.constant 1 : i32
    scf.for %scan3A_34 = %scan3A_6 to %scan3A_8 step %scan3A_9  : i32 {
      %mul3A_35 = arith.constant 64 : i32
      %mul3A_36 = arith.muli %scan3A_34, %mul3A_35 : i32
      %add3A_37 = arith.constant 0 : i32
      %add3A_38 = arith.addi %mul3A_36, %add3A_37 : i32
      %swap3A = arith.index_cast %add3A_38 : i32 to index
      %swap3A_39 = tpu.vector_load %arg5[%swap3A] {strides = array<i32>} : memref<10240xf32, #tpu.memory_space<vmem>>, vector<16xf32>,
      tpu.vector_store %arg5[%swap3A], %broadcast_in_dim3A_3 {strides = array<i32>} : memref<10240xf32, #tpu.memory_space<vmem>>, vector<16xf32>,
      %mul3A_40 = arith.constant 64 : i32
      %mul3A_41 = arith.muli %scan3A_34, %mul3A_40 : i32
      %add3A_42 = arith.constant 16 : i32
      %add3A_43 = arith.addi %mul3A_41, %add3A_42 : i32
      %swap3A_44 = arith.index_cast %add3A_43 : i32 to index
      %swap3A_45 = tpu.vector_load %arg5[%swap3A_44] {strides = array<i32>} : memref<10240xf32, #tpu.memory_space<vmem>>, vector<16xf32>,
      tpu.vector_store %arg5[%swap3A_44], %broadcast_in_dim3A_3 {strides = array<i32>} : memref<10240xf32, #tpu.memory_space<vmem>>, vector<16xf32>,
      %mul3A_46 = arith.constant 64 : i32
      %mul3A_47 = arith.muli %scan3A_34, %mul3A_46 : i32
      %add3A_48 = arith.constant 32 : i32
      %add3A_49 = arith.addi %mul3A_47, %add3A_48 : i32
      %swap3A_50 = arith.index_cast %add3A_49 : i32 to index
      %swap3A_51 = tpu.vector_load %arg5[%swap3A_50] {strides = array<i32>} : memref<10240xf32, #tpu.memory_space<vmem>>, vector<16xf32>,
      tpu.vector_store %arg5[%swap3A_50], %broadcast_in_dim3A_3 {strides = array<i32>} : memref<10240xf32, #tpu.memory_space<vmem>>, vector<16xf32>,
      %mul3A_52 = arith.constant 64 : i32
      %mul3A_53 = arith.muli %scan3A_34, %mul3A_52 : i32
      %add3A_54 = arith.constant 48 : i32
      %add3A_55 = arith.addi %mul3A_53, %add3A_54 : i32
      %swap3A_56 = arith.index_cast %add3A_55 : i32 to index
      %swap3A_57 = tpu.vector_load %arg5[%swap3A_56] {strides = array<i32>} : memref<10240xf32, #tpu.memory_space<vmem>>, vector<16xf32>,
      tpu.vector_store %arg5[%swap3A_56], %broadcast_in_dim3A_3 {strides = array<i32>} : memref<10240xf32, #tpu.memory_space<vmem>>, vector<16xf32>,
    }
    %scan3A_10 = arith.constant 160 : i32
    %scan3A_11 = arith.constant 0 : i32
    %scan3A_12 = arith.constant 0 : i32
    %scan3A_13 = arith.constant 79 : i32
    %scan3A_14 = arith.addi %scan3A_12, %scan3A_13 : i32
    %scan3A_15 = arith.constant 1 : i32
    scf.for %scan3A_34 = %scan3A_12 to %scan3A_14 step %scan3A_15  : i32 {
      %mul3A_35 = arith.constant 64 : i32
      %mul3A_36 = arith.muli %scan3A_34, %mul3A_35 : i32
      %add3A_37 = arith.constant 0 : i32
      %add3A_38 = arith.addi %mul3A_36, %add3A_37 : i32
      %get3A = arith.index_cast %add3A_38 : i32 to index
      %get3A_39 = tpu.vector_load %arg4[%get3A] {strides = array<i32>} : memref<5056xi32, #tpu.memory_space<vmem>>, vector<16xi32>,
      tpu.vector_store_idx %arg5[%get3A_39], %broadcast_in_dim3A_5 {add = true} : memref<10240xf32, #tpu.memory_space<vmem>>[vector<16xi32>], vector<16xf32>,
      %mul3A_40 = arith.constant 64 : i32
      %mul3A_41 = arith.muli %scan3A_34, %mul3A_40 : i32
      %add3A_42 = arith.constant 16 : i32
      %add3A_43 = arith.addi %mul3A_41, %add3A_42 : i32
      %get3A_44 = arith.index_cast %add3A_43 : i32 to index
      %get3A_45 = tpu.vector_load %arg4[%get3A_44] {strides = array<i32>} : memref<5056xi32, #tpu.memory_space<vmem>>, vector<16xi32>,
      tpu.vector_store_idx %arg5[%get3A_45], %broadcast_in_dim3A_5 {add = true} : memref<10240xf32, #tpu.memory_space<vmem>>[vector<16xi32>], vector<16xf32>,
      %mul3A_46 = arith.constant 64 : i32
      %mul3A_47 = arith.muli %scan3A_34, %mul3A_46 : i32
      %add3A_48 = arith.constant 32 : i32
      %add3A_49 = arith.addi %mul3A_47, %add3A_48 : i32
      %get3A_50 = arith.index_cast %add3A_49 : i32 to index
      %get3A_51 = tpu.vector_load %arg4[%get3A_50] {strides = array<i32>} : memref<5056xi32, #tpu.memory_space<vmem>>, vector<16xi32>,
      tpu.vector_store_idx %arg5[%get3A_51], %broadcast_in_dim3A_5 {add = true} : memref<10240xf32, #tpu.memory_space<vmem>>[vector<16xi32>], vector<16xf32>,
      %mul3A_52 = arith.constant 64 : i32
      %mul3A_53 = arith.muli %scan3A_34, %mul3A_52 : i32
      %add3A_54 = arith.constant 48 : i32
      %add3A_55 = arith.addi %mul3A_53, %add3A_54 : i32
      %get3A_56 = arith.index_cast %add3A_55 : i32 to index
      %get3A_57 = tpu.vector_load %arg4[%get3A_56] {strides = array<i32>} : memref<5056xi32, #tpu.memory_space<vmem>>, vector<16xi32>,
      tpu.vector_store_idx %arg5[%get3A_57], %broadcast_in_dim3A_5 {add = true} : memref<10240xf32, #tpu.memory_space<vmem>>[vector<16xi32>], vector<16xf32>,
    }
    %scan3A_16 = arith.constant 79 : i32
    "tpu.region"() ({
      %run_scoped3A = tpu.sem_alloc : memref<!tpu.dma_semaphore, #tpu.memory_space<semaphore_mem>>
      %dma_start3A = arith.constant 0 : i32
      %dma_start3A_34 = tpu.memref_slice %arg8[%arg1, %dma_start3A] : memref<16x10240xf32, #tpu.memory_space<vmem_shared>> -> memref<1x10240xf32, #tpu.memory_space<vmem_shared>>
      %dma_start3A_35 = tpu.memref_squeeze %dma_start3A_34 : memref<1x10240xf32, #tpu.memory_space<vmem_shared>> -> memref<10240xf32, #tpu.memory_space<vmem_shared>>
      %dma_start3A_36 = arith.constant 0 : i32
      %dma_start3A_37 = tpu.memref_slice %arg8[%arg1, %dma_start3A_36] : memref<16x10240xf32, #tpu.memory_space<vmem_shared>> -> memref<1x10240xf32, #tpu.memory_space<vmem_shared>>
      %dma_start3A_38 = tpu.memref_squeeze %dma_start3A_37 : memref<1x10240xf32, #tpu.memory_space<vmem_shared>> -> memref<10240xf32, #tpu.memory_space<vmem_shared>>
      tpu.enqueue_dma source(%arg5 : memref<10240xf32, #tpu.memory_space<vmem>>) target(%dma_start3A_38 : memref<10240xf32, #tpu.memory_space<vmem_shared>>) target_semaphore(%run_scoped3A : memref<!tpu.dma_semaphore, #tpu.memory_space<semaphore_mem>>)
      %dma_wait3A = arith.constant 0 : i32
      %dma_wait3A_39 = tpu.memref_slice %arg8[%arg1, %dma_wait3A] : memref<16x10240xf32, #tpu.memory_space<vmem_shared>> -> memref<1x10240xf32, #tpu.memory_space<vmem_shared>>
      %dma_wait3A_40 = tpu.memref_squeeze %dma_wait3A_39 : memref<1x10240xf32, #tpu.memory_space<vmem_shared>> -> memref<10240xf32, #tpu.memory_space<vmem_shared>>
      %dma_wait3A_41 = arith.constant 0 : i32
      %dma_wait3A_42 = tpu.memref_slice %arg8[%arg1, %dma_wait3A_41] : memref<16x10240xf32, #tpu.memory_space<vmem_shared>> -> memref<1x10240xf32, #tpu.memory_space<vmem_shared>>
      %dma_wait3A_43 = tpu.memref_squeeze %dma_wait3A_42 : memref<1x10240xf32, #tpu.memory_space<vmem_shared>> -> memref<10240xf32, #tpu.memory_space<vmem_shared>>
      tpu.wait_dma2 semaphore(%run_scoped3A : memref<!tpu.dma_semaphore, #tpu.memory_space<semaphore_mem>>) src(%arg5 : memref<10240xf32, #tpu.memory_space<vmem>>) dst(%dma_wait3A_43 : memref<10240xf32, #tpu.memory_space<vmem_shared>>)
      tpu.yield
    }) : () -> ()
    %barrier3A = arith.constant 0 : index
    tpu.barrier barrier_id(%barrier3A)
    %scan3A_17 = arith.constant 0 : i32
    %scan3A_18 = arith.constant 0 : i32
    %scan3A_19 = arith.constant 40 : i32
    %scan3A_20 = arith.addi %scan3A_18, %scan3A_19 : i32
    %scan3A_21 = arith.constant 1 : i32
    scf.for %scan3A_34 = %scan3A_18 to %scan3A_20 step %scan3A_21  : i32 {
      %mul3A_35 = arith.constant 16 : i32
      %mul3A_36 = arith.muli %scan3A_34, %mul3A_35 : i32
      %swap3A = arith.index_cast %mul3A_36 : i32 to index
      %swap3A_37 = tpu.vector_load %arg6[%swap3A] {strides = array<i32>} : memref<640xf32, #tpu.memory_space<vmem>>, vector<16xf32>,
      tpu.vector_store %arg6[%swap3A], %broadcast_in_dim3A_3 {strides = array<i32>} : memref<640xf32, #tpu.memory_space<vmem>>, vector<16xf32>,
    }
    %scan3A_22 = arith.constant 40 : i32
    %scan3A_23 = arith.constant 0 : i32
    %scan3A_24 = arith.constant 0 : i32
    %scan3A_25 = arith.constant 16 : i32
    %scan3A_26 = arith.addi %scan3A_24, %scan3A_25 : i32
    %scan3A_27 = arith.constant 1 : i32
    scf.for %scan3A_34 = %scan3A_24 to %scan3A_26 step %scan3A_27  : i32 {
      %mul3A_35 = arith.constant 640 : i32
      %mul3A_36 = arith.muli %arg1, %mul3A_35 : i32
      "tpu.region"() ({
        %run_scoped3A = tpu.sem_alloc : memref<!tpu.dma_semaphore, #tpu.memory_space<semaphore_mem>>
        %dma_start3A = tpu.memref_slice %arg8[%scan3A_34, %mul3A_36] : memref<16x10240xf32, #tpu.memory_space<vmem_shared>> -> memref<1x640xf32, #tpu.memory_space<vmem_shared>>
        %dma_start3A_43 = tpu.memref_squeeze %dma_start3A : memref<1x640xf32, #tpu.memory_space<vmem_shared>> -> memref<640xf32, #tpu.memory_space<vmem_shared>>
        %dma_start3A_44 = tpu.memref_slice %arg8[%scan3A_34, %mul3A_36] : memref<16x10240xf32, #tpu.memory_space<vmem_shared>> -> memref<1x640xf32, #tpu.memory_space<vmem_shared>>
        %dma_start3A_45 = tpu.memref_squeeze %dma_start3A_44 : memref<1x640xf32, #tpu.memory_space<vmem_shared>> -> memref<640xf32, #tpu.memory_space<vmem_shared>>
        tpu.enqueue_dma source(%dma_start3A_45 : memref<640xf32, #tpu.memory_space<vmem_shared>>) target(%arg7 : memref<640xf32, #tpu.memory_space<vmem>>) target_semaphore(%run_scoped3A : memref<!tpu.dma_semaphore, #tpu.memory_space<semaphore_mem>>)
        %dma_wait3A = tpu.memref_slice %arg8[%scan3A_34, %mul3A_36] : memref<16x10240xf32, #tpu.memory_space<vmem_shared>> -> memref<1x640xf32, #tpu.memory_space<vmem_shared>>
        %dma_wait3A_46 = tpu.memref_squeeze %dma_wait3A : memref<1x640xf32, #tpu.memory_space<vmem_shared>> -> memref<640xf32, #tpu.memory_space<vmem_shared>>
        %dma_wait3A_47 = tpu.memref_slice %arg8[%scan3A_34, %mul3A_36] : memref<16x10240xf32, #tpu.memory_space<vmem_shared>> -> memref<1x640xf32, #tpu.memory_space<vmem_shared>>
        %dma_wait3A_48 = tpu.memref_squeeze %dma_wait3A_47 : memref<1x640xf32, #tpu.memory_space<vmem_shared>> -> memref<640xf32, #tpu.memory_space<vmem_shared>>
        tpu.wait_dma2 semaphore(%run_scoped3A : memref<!tpu.dma_semaphore, #tpu.memory_space<semaphore_mem>>) src(%dma_wait3A_48 : memref<640xf32, #tpu.memory_space<vmem_shared>>) dst(%arg7 : memref<640xf32, #tpu.memory_space<vmem>>)
        tpu.yield
      }) : () -> ()
      %scan3A_37 = arith.constant 0 : i32
      %scan3A_38 = arith.constant 0 : i32
      %scan3A_39 = arith.constant 10 : i32
      %scan3A_40 = arith.addi %scan3A_38, %scan3A_39 : i32
      %scan3A_41 = arith.constant 1 : i32
      scf.for %scan3A_43 = %scan3A_38 to %scan3A_40 step %scan3A_41  : i32 {
        %mul3A_44 = arith.constant 64 : i32
        %mul3A_45 = arith.muli %scan3A_43, %mul3A_44 : i32
        %add3A_46 = arith.constant 0 : i32
        %add3A_47 = arith.addi %mul3A_45, %add3A_46 : i32
        %get3A = arith.index_cast %add3A_47 : i32 to index
        %get3A_48 = tpu.vector_load %arg6[%get3A] {strides = array<i32>} : memref<640xf32, #tpu.memory_space<vmem>>, vector<16xf32>,
        %get3A_49 = arith.index_cast %add3A_47 : i32 to index
        %get3A_50 = tpu.vector_load %arg7[%get3A_49] {strides = array<i32>} : memref<640xf32, #tpu.memory_space<vmem>>, vector<16xf32>,
        %add3A_51 = arith.addf %get3A_48, %get3A_50 : vector<16xf32>
        %swap3A = arith.index_cast %add3A_47 : i32 to index
        %swap3A_52 = tpu.vector_load %arg6[%swap3A] {strides = array<i32>} : memref<640xf32, #tpu.memory_space<vmem>>, vector<16xf32>,
        tpu.vector_store %arg6[%swap3A], %add3A_51 {strides = array<i32>} : memref<640xf32, #tpu.memory_space<vmem>>, vector<16xf32>,
        %mul3A_53 = arith.constant 64 : i32
        %mul3A_54 = arith.muli %scan3A_43, %mul3A_53 : i32
        %add3A_55 = arith.constant 16 : i32
        %add3A_56 = arith.addi %mul3A_54, %add3A_55 : i32
        %get3A_57 = arith.index_cast %add3A_56 : i32 to index
        %get3A_58 = tpu.vector_load %arg6[%get3A_57] {strides = array<i32>} : memref<640xf32, #tpu.memory_space<vmem>>, vector<16xf32>,
        %get3A_59 = arith.index_cast %add3A_56 : i32 to index
        %get3A_60 = tpu.vector_load %arg7[%get3A_59] {strides = array<i32>} : memref<640xf32, #tpu.memory_space<vmem>>, vector<16xf32>,
        %add3A_61 = arith.addf %get3A_58, %get3A_60 : vector<16xf32>
        %swap3A_62 = arith.index_cast %add3A_56 : i32 to index
        %swap3A_63 = tpu.vector_load %arg6[%swap3A_62] {strides = array<i32>} : memref<640xf32, #tpu.memory_space<vmem>>, vector<16xf32>,
        tpu.vector_store %arg6[%swap3A_62], %add3A_61 {strides = array<i32>} : memref<640xf32, #tpu.memory_space<vmem>>, vector<16xf32>,
        %mul3A_64 = arith.constant 64 : i32
        %mul3A_65 = arith.muli %scan3A_43, %mul3A_64 : i32
        %add3A_66 = arith.constant 32 : i32
        %add3A_67 = arith.addi %mul3A_65, %add3A_66 : i32
        %get3A_68 = arith.index_cast %add3A_67 : i32 to index
        %get3A_69 = tpu.vector_load %arg6[%get3A_68] {strides = array<i32>} : memref<640xf32, #tpu.memory_space<vmem>>, vector<16xf32>,
        %get3A_70 = arith.index_cast %add3A_67 : i32 to index
        %get3A_71 = tpu.vector_load %arg7[%get3A_70] {strides = array<i32>} : memref<640xf32, #tpu.memory_space<vmem>>, vector<16xf32>,
        %add3A_72 = arith.addf %get3A_69, %get3A_71 : vector<16xf32>
        %swap3A_73 = arith.index_cast %add3A_67 : i32 to index
        %swap3A_74 = tpu.vector_load %arg6[%swap3A_73] {strides = array<i32>} : memref<640xf32, #tpu.memory_space<vmem>>, vector<16xf32>,
        tpu.vector_store %arg6[%swap3A_73], %add3A_72 {strides = array<i32>} : memref<640xf32, #tpu.memory_space<vmem>>, vector<16xf32>,
        %mul3A_75 = arith.constant 64 : i32
        %mul3A_76 = arith.muli %scan3A_43, %mul3A_75 : i32
        %add3A_77 = arith.constant 48 : i32
        %add3A_78 = arith.addi %mul3A_76, %add3A_77 : i32
        %get3A_79 = arith.index_cast %add3A_78 : i32 to index
        %get3A_80 = tpu.vector_load %arg6[%get3A_79] {strides = array<i32>} : memref<640xf32, #tpu.memory_space<vmem>>, vector<16xf32>,
        %get3A_81 = arith.index_cast %add3A_78 : i32 to index
        %get3A_82 = tpu.vector_load %arg7[%get3A_81] {strides = array<i32>} : memref<640xf32, #tpu.memory_space<vmem>>, vector<16xf32>,
        %add3A_83 = arith.addf %get3A_80, %get3A_82 : vector<16xf32>
        %swap3A_84 = arith.index_cast %add3A_78 : i32 to index
        %swap3A_85 = tpu.vector_load %arg6[%swap3A_84] {strides = array<i32>} : memref<640xf32, #tpu.memory_space<vmem>>, vector<16xf32>,
        tpu.vector_store %arg6[%swap3A_84], %add3A_83 {strides = array<i32>} : memref<640xf32, #tpu.memory_space<vmem>>, vector<16xf32>,
      }
      %scan3A_42 = arith.constant 10 : i32
    }
    %scan3A_28 = arith.constant 16 : i32
    %mul3A_29 = arith.constant 10240 : i32
    %mul3A_30 = arith.muli %arg0, %mul3A_29 : i32
    %mul3A_31 = arith.constant 640 : i32
    %mul3A_32 = arith.muli %arg1, %mul3A_31 : i32
    %add3A_33 = arith.addi %mul3A_30, %mul3A_32 : i32
    "tpu.region"() ({
      %run_scoped3A = tpu.sem_alloc : memref<!tpu.dma_semaphore, #tpu.memory_space<semaphore_mem>>
      %dma_start3A = tpu.memref_slice %arg3[%add3A_33] : memref<20480xf32, #tpu.memory_space<hbm>> -> memref<640xf32, #tpu.memory_space<hbm>>
      %dma_start3A_34 = tpu.memref_slice %arg3[%add3A_33] : memref<20480xf32, #tpu.memory_space<hbm>> -> memref<640xf32, #tpu.memory_space<hbm>>
      tpu.enqueue_dma source(%arg6 : memref<640xf32, #tpu.memory_space<vmem>>) target(%dma_start3A_34 : memref<640xf32, #tpu.memory_space<hbm>>) target_semaphore(%run_scoped3A : memref<!tpu.dma_semaphore, #tpu.memory_space<semaphore_mem>>)
      %dma_wait3A = tpu.memref_slice %arg3[%add3A_33] : memref<20480xf32, #tpu.memory_space<hbm>> -> memref<640xf32, #tpu.memory_space<hbm>>
      %dma_wait3A_35 = tpu.memref_slice %arg3[%add3A_33] : memref<20480xf32, #tpu.memory_space<hbm>> -> memref<640xf32, #tpu.memory_space<hbm>>
      tpu.wait_dma2 semaphore(%run_scoped3A : memref<!tpu.dma_semaphore, #tpu.memory_space<semaphore_mem>>) src(%arg6 : memref<640xf32, #tpu.memory_space<vmem>>) dst(%dma_wait3A_35 : memref<640xf32, #tpu.memory_space<hbm>>)
      tpu.yield
    }) : () -> ()
    return
  }
}

#map = affine_map<(d0, d1) -> (0, 0, 0)>
module attributes {stable_mosaic.version = 14 : i64} {
  func.func @_s2_scatter(%arg0: i32, %arg1: i32, %arg2: memref<2x10000x128xf32, #tpu.memory_space<hbm>>, %arg3: memref<16x80x128xi32, #tpu.memory_space<hbm>>, %arg4: memref<16x80x128xi32, #tpu.memory_space<hbm>>, %arg5: memref<2x10112x128xf32, #tpu.memory_space<hbm>>, %arg6: memref<40x128xi32, #tpu.memory_space<vmem>>, %arg7: memref<40x128xi32, #tpu.memory_space<vmem>>, %arg8: memref<2x128x128xf32, #tpu.memory_space<vmem>>, %arg9: memref<10112x128xf32, #tpu.memory_space<vmem_shared>>, %arg10: memref<!tpu.dma_semaphore, #tpu.memory_space<semaphore_mem>>) attributes {dimension_semantics = [#tpu.dimension_semantics<core_parallel>, #tpu.dimension_semantics<subcore_parallel>], iteration_bounds = array<i64: 2, 16>, scalar_prefetch = 0 : i64, scratch_operands = 5 : i64, tpu.core_type = #tpu.core_type<sc_vector_subcore>, window_params = [{transform_indices = #map}, {transform_indices = #map}, {transform_indices = #map}, {transform_indices = #map}]} {
    %broadcast_in_dim3A = arith.constant 0.000000e+00 : f32
    %broadcast_in_dim3A_0 = vector.broadcast %broadcast_in_dim3A : f32 to vector<16xf32>
    %dma_start3A = arith.constant 0 : i32
    %dma_start3A_1 = arith.constant 0 : i32
    %dma_start3A_2 = tpu.memref_slice %arg3[%arg1, %dma_start3A, %dma_start3A_1] : memref<16x80x128xi32, #tpu.memory_space<hbm>> -> memref<1x40x128xi32, #tpu.memory_space<hbm>>
    %dma_start3A_3 = tpu.memref_squeeze %dma_start3A_2 : memref<1x40x128xi32, #tpu.memory_space<hbm>> -> memref<40x128xi32, #tpu.memory_space<hbm>>
    %dma_start3A_4 = arith.constant 0 : i32
    %dma_start3A_5 = arith.constant 0 : i32
    %dma_start3A_6 = tpu.memref_slice %arg3[%arg1, %dma_start3A_4, %dma_start3A_5] : memref<16x80x128xi32, #tpu.memory_space<hbm>> -> memref<1x40x128xi32, #tpu.memory_space<hbm>>
    %dma_start3A_7 = tpu.memref_squeeze %dma_start3A_6 : memref<1x40x128xi32, #tpu.memory_space<hbm>> -> memref<40x128xi32, #tpu.memory_space<hbm>>
    tpu.enqueue_dma source(%dma_start3A_7 : memref<40x128xi32, #tpu.memory_space<hbm>>) target(%arg6 : memref<40x128xi32, #tpu.memory_space<vmem>>) target_semaphore(%arg10 : memref<!tpu.dma_semaphore, #tpu.memory_space<semaphore_mem>>)
    %dma_start3A_8 = arith.constant 0 : i32
    %dma_start3A_9 = arith.constant 0 : i32
    %dma_start3A_10 = tpu.memref_slice %arg4[%arg1, %dma_start3A_8, %dma_start3A_9] : memref<16x80x128xi32, #tpu.memory_space<hbm>> -> memref<1x40x128xi32, #tpu.memory_space<hbm>>
    %dma_start3A_11 = tpu.memref_squeeze %dma_start3A_10 : memref<1x40x128xi32, #tpu.memory_space<hbm>> -> memref<40x128xi32, #tpu.memory_space<hbm>>
    %dma_start3A_12 = arith.constant 0 : i32
    %dma_start3A_13 = arith.constant 0 : i32
    %dma_start3A_14 = tpu.memref_slice %arg4[%arg1, %dma_start3A_12, %dma_start3A_13] : memref<16x80x128xi32, #tpu.memory_space<hbm>> -> memref<1x40x128xi32, #tpu.memory_space<hbm>>
    %dma_start3A_15 = tpu.memref_squeeze %dma_start3A_14 : memref<1x40x128xi32, #tpu.memory_space<hbm>> -> memref<40x128xi32, #tpu.memory_space<hbm>>
    tpu.enqueue_dma source(%dma_start3A_15 : memref<40x128xi32, #tpu.memory_space<hbm>>) target(%arg7 : memref<40x128xi32, #tpu.memory_space<vmem>>) target_semaphore(%arg10 : memref<!tpu.dma_semaphore, #tpu.memory_space<semaphore_mem>>)
    %scan3A = arith.constant 0 : i32
    %scan3A_16 = arith.constant 0 : i32
    %scan3A_17 = arith.constant 1024 : i32
    %scan3A_18 = arith.addi %scan3A_16, %scan3A_17 : i32
    %scan3A_19 = arith.constant 1 : i32
    scf.for %scan3A_231 = %scan3A_16 to %scan3A_18 step %scan3A_19  : i32 {
      %jit3A = arith.constant 8 : i32
      %div3A = arith.divsi %scan3A_231, %jit3A : i32
      %sign3A = arith.constant 0 : i32
      %sign3A_232 = arith.cmpi sgt, %scan3A_231, %sign3A : i32
      %sign3A_233 = arith.extui %sign3A_232 : i1 to i32
      %sign3A_234 = arith.constant 0 : i32
      %sign3A_235 = arith.cmpi slt, %scan3A_231, %sign3A_234 : i32
      %sign3A_236 = arith.extui %sign3A_235 : i1 to i32
      %sign3A_237 = arith.subi %sign3A_233, %sign3A_236 : i32
      %sign3A_238 = arith.constant 0 : i32
      %sign3A_239 = arith.cmpi sgt, %jit3A, %sign3A_238 : i32
      %sign3A_240 = arith.extui %sign3A_239 : i1 to i32
      %sign3A_241 = arith.constant 0 : i32
      %sign3A_242 = arith.cmpi slt, %jit3A, %sign3A_241 : i32
      %sign3A_243 = arith.extui %sign3A_242 : i1 to i32
      %sign3A_244 = arith.subi %sign3A_240, %sign3A_243 : i32
      %ne3A = arith.cmpi ne, %sign3A_237, %sign3A_244 : i32
      %rem3A = arith.remsi %scan3A_231, %jit3A : i32
      %ne3A_245 = arith.constant 0 : i32
      %ne3A_246 = arith.cmpi ne, %rem3A, %ne3A_245 : i32
      %and3A = arith.andi %ne3A, %ne3A_246 : i1
      %sub3A = arith.constant 1 : i32
      %sub3A_247 = arith.subi %div3A, %sub3A : i32
      %select_n3A = arith.select %and3A, %sub3A_247, %div3A : i32
      %jit3A_248 = arith.constant 8 : i32
      %eq3A = arith.constant 0 : i32
      %eq3A_249 = arith.cmpi eq, %jit3A_248, %eq3A : i32
      %jit3A_250 = arith.constant 1 : i32
      %select_n3A_251 = arith.select %eq3A_249, %jit3A_250, %jit3A_248 : i32
      %rem3A_252 = arith.remsi %scan3A_231, %select_n3A_251 : i32
      %ne3A_253 = arith.constant 0 : i32
      %ne3A_254 = arith.cmpi ne, %rem3A_252, %ne3A_253 : i32
      %lt3A = arith.constant 0 : i32
      %lt3A_255 = arith.cmpi slt, %rem3A_252, %lt3A : i32
      %lt3A_256 = arith.constant 0 : i32
      %lt3A_257 = arith.cmpi slt, %select_n3A_251, %lt3A_256 : i32
      %ne3A_258 = arith.xori %lt3A_255, %lt3A_257 : i1
      %and3A_259 = arith.andi %ne3A_258, %ne3A_254 : i1
      %add3A_260 = arith.addi %rem3A_252, %select_n3A_251 : i32
      %select_n3A_261 = arith.select %and3A_259, %add3A_260, %rem3A_252 : i32
      %mul3A_262 = arith.constant 16 : i32
      %mul3A_263 = arith.muli %select_n3A_261, %mul3A_262 : i32
      %swap3A = arith.constant 0 : i32
      %swap3A_264 = arith.index_cast %swap3A : i32 to index
      %swap3A_265 = arith.index_cast %select_n3A : i32 to index
      %swap3A_266 = arith.index_cast %mul3A_263 : i32 to index
      %swap3A_267 = tpu.vector_load %arg8[%swap3A_264, %swap3A_265, %swap3A_266] {strides = array<i32>} : memref<2x128x128xf32, #tpu.memory_space<vmem>>, vector<16xf32>,
      tpu.vector_store %arg8[%swap3A_264, %swap3A_265, %swap3A_266], %broadcast_in_dim3A_0 {strides = array<i32>} : memref<2x128x128xf32, #tpu.memory_space<vmem>>, vector<16xf32>,
    }
    %scan3A_20 = arith.constant 1024 : i32
    %mul3A = arith.constant 632 : i32
    %mul3A_21 = arith.muli %arg1, %mul3A : i32
    %add3A = arith.constant 0 : i32
    %add3A_22 = arith.addi %mul3A_21, %add3A : i32
    %dma_start3A_23 = arith.constant 0 : i32
    %dma_start3A_24 = arith.constant 0 : i32
    %dma_start3A_25 = arith.constant 0 : i32
    %dma_start3A_26 = tpu.memref_slice %arg8[%dma_start3A_23, %dma_start3A_24, %dma_start3A_25] : memref<2x128x128xf32, #tpu.memory_space<vmem>> -> memref<1x128x128xf32, #tpu.memory_space<vmem>>
    %dma_start3A_27 = tpu.memref_squeeze %dma_start3A_26 : memref<1x128x128xf32, #tpu.memory_space<vmem>> -> memref<128x128xf32, #tpu.memory_space<vmem>>
    %dma_start3A_28 = arith.constant 0 : i32
    %dma_start3A_29 = tpu.memref_slice %arg9[%add3A_22, %dma_start3A_28] : memref<10112x128xf32, #tpu.memory_space<vmem_shared>> -> memref<128x128xf32, #tpu.memory_space<vmem_shared>>
    %dma_start3A_30 = arith.constant 0 : i32
    %dma_start3A_31 = tpu.memref_slice %arg9[%add3A_22, %dma_start3A_30] : memref<10112x128xf32, #tpu.memory_space<vmem_shared>> -> memref<128x128xf32, #tpu.memory_space<vmem_shared>>
    %dma_start3A_32 = arith.constant 0 : i32
    %dma_start3A_33 = arith.constant 0 : i32
    %dma_start3A_34 = tpu.memref_slice %arg8[%dma_start3A_23, %dma_start3A_32, %dma_start3A_33] : memref<2x128x128xf32, #tpu.memory_space<vmem>> -> memref<1x128x128xf32, #tpu.memory_space<vmem>>
    %dma_start3A_35 = tpu.memref_squeeze %dma_start3A_34 : memref<1x128x128xf32, #tpu.memory_space<vmem>> -> memref<128x128xf32, #tpu.memory_space<vmem>>
    tpu.enqueue_dma source(%dma_start3A_35 : memref<128x128xf32, #tpu.memory_space<vmem>>) target(%dma_start3A_31 : memref<128x128xf32, #tpu.memory_space<vmem_shared>>) target_semaphore(%arg10 : memref<!tpu.dma_semaphore, #tpu.memory_space<semaphore_mem>>)
    %add3A_36 = arith.constant 128 : i32
    %add3A_37 = arith.addi %mul3A_21, %add3A_36 : i32
    %dma_start3A_38 = arith.constant 0 : i32
    %dma_start3A_39 = arith.constant 0 : i32
    %dma_start3A_40 = arith.constant 0 : i32
    %dma_start3A_41 = tpu.memref_slice %arg8[%dma_start3A_38, %dma_start3A_39, %dma_start3A_40] : memref<2x128x128xf32, #tpu.memory_space<vmem>> -> memref<1x128x128xf32, #tpu.memory_space<vmem>>
    %dma_start3A_42 = tpu.memref_squeeze %dma_start3A_41 : memref<1x128x128xf32, #tpu.memory_space<vmem>> -> memref<128x128xf32, #tpu.memory_space<vmem>>
    %dma_start3A_43 = arith.constant 0 : i32
    %dma_start3A_44 = tpu.memref_slice %arg9[%add3A_37, %dma_start3A_43] : memref<10112x128xf32, #tpu.memory_space<vmem_shared>> -> memref<128x128xf32, #tpu.memory_space<vmem_shared>>
    %dma_start3A_45 = arith.constant 0 : i32
    %dma_start3A_46 = tpu.memref_slice %arg9[%add3A_37, %dma_start3A_45] : memref<10112x128xf32, #tpu.memory_space<vmem_shared>> -> memref<128x128xf32, #tpu.memory_space<vmem_shared>>
    %dma_start3A_47 = arith.constant 0 : i32
    %dma_start3A_48 = arith.constant 0 : i32
    %dma_start3A_49 = tpu.memref_slice %arg8[%dma_start3A_38, %dma_start3A_47, %dma_start3A_48] : memref<2x128x128xf32, #tpu.memory_space<vmem>> -> memref<1x128x128xf32, #tpu.memory_space<vmem>>
    %dma_start3A_50 = tpu.memref_squeeze %dma_start3A_49 : memref<1x128x128xf32, #tpu.memory_space<vmem>> -> memref<128x128xf32, #tpu.memory_space<vmem>>
    tpu.enqueue_dma source(%dma_start3A_50 : memref<128x128xf32, #tpu.memory_space<vmem>>) target(%dma_start3A_46 : memref<128x128xf32, #tpu.memory_space<vmem_shared>>) target_semaphore(%arg10 : memref<!tpu.dma_semaphore, #tpu.memory_space<semaphore_mem>>)
    %add3A_51 = arith.constant 256 : i32
    %add3A_52 = arith.addi %mul3A_21, %add3A_51 : i32
    %dma_start3A_53 = arith.constant 0 : i32
    %dma_start3A_54 = arith.constant 0 : i32
    %dma_start3A_55 = arith.constant 0 : i32
    %dma_start3A_56 = tpu.memref_slice %arg8[%dma_start3A_53, %dma_start3A_54, %dma_start3A_55] : memref<2x128x128xf32, #tpu.memory_space<vmem>> -> memref<1x128x128xf32, #tpu.memory_space<vmem>>
    %dma_start3A_57 = tpu.memref_squeeze %dma_start3A_56 : memref<1x128x128xf32, #tpu.memory_space<vmem>> -> memref<128x128xf32, #tpu.memory_space<vmem>>
    %dma_start3A_58 = arith.constant 0 : i32
    %dma_start3A_59 = tpu.memref_slice %arg9[%add3A_52, %dma_start3A_58] : memref<10112x128xf32, #tpu.memory_space<vmem_shared>> -> memref<128x128xf32, #tpu.memory_space<vmem_shared>>
    %dma_start3A_60 = arith.constant 0 : i32
    %dma_start3A_61 = tpu.memref_slice %arg9[%add3A_52, %dma_start3A_60] : memref<10112x128xf32, #tpu.memory_space<vmem_shared>> -> memref<128x128xf32, #tpu.memory_space<vmem_shared>>
    %dma_start3A_62 = arith.constant 0 : i32
    %dma_start3A_63 = arith.constant 0 : i32
    %dma_start3A_64 = tpu.memref_slice %arg8[%dma_start3A_53, %dma_start3A_62, %dma_start3A_63] : memref<2x128x128xf32, #tpu.memory_space<vmem>> -> memref<1x128x128xf32, #tpu.memory_space<vmem>>
    %dma_start3A_65 = tpu.memref_squeeze %dma_start3A_64 : memref<1x128x128xf32, #tpu.memory_space<vmem>> -> memref<128x128xf32, #tpu.memory_space<vmem>>
    tpu.enqueue_dma source(%dma_start3A_65 : memref<128x128xf32, #tpu.memory_space<vmem>>) target(%dma_start3A_61 : memref<128x128xf32, #tpu.memory_space<vmem_shared>>) target_semaphore(%arg10 : memref<!tpu.dma_semaphore, #tpu.memory_space<semaphore_mem>>)
    %add3A_66 = arith.constant 384 : i32
    %add3A_67 = arith.addi %mul3A_21, %add3A_66 : i32
    %dma_start3A_68 = arith.constant 0 : i32
    %dma_start3A_69 = arith.constant 0 : i32
    %dma_start3A_70 = arith.constant 0 : i32
    %dma_start3A_71 = tpu.memref_slice %arg8[%dma_start3A_68, %dma_start3A_69, %dma_start3A_70] : memref<2x128x128xf32, #tpu.memory_space<vmem>> -> memref<1x128x128xf32, #tpu.memory_space<vmem>>
    %dma_start3A_72 = tpu.memref_squeeze %dma_start3A_71 : memref<1x128x128xf32, #tpu.memory_space<vmem>> -> memref<128x128xf32, #tpu.memory_space<vmem>>
    %dma_start3A_73 = arith.constant 0 : i32
    %dma_start3A_74 = tpu.memref_slice %arg9[%add3A_67, %dma_start3A_73] : memref<10112x128xf32, #tpu.memory_space<vmem_shared>> -> memref<128x128xf32, #tpu.memory_space<vmem_shared>>
    %dma_start3A_75 = arith.constant 0 : i32
    %dma_start3A_76 = tpu.memref_slice %arg9[%add3A_67, %dma_start3A_75] : memref<10112x128xf32, #tpu.memory_space<vmem_shared>> -> memref<128x128xf32, #tpu.memory_space<vmem_shared>>
    %dma_start3A_77 = arith.constant 0 : i32
    %dma_start3A_78 = arith.constant 0 : i32
    %dma_start3A_79 = tpu.memref_slice %arg8[%dma_start3A_68, %dma_start3A_77, %dma_start3A_78] : memref<2x128x128xf32, #tpu.memory_space<vmem>> -> memref<1x128x128xf32, #tpu.memory_space<vmem>>
    %dma_start3A_80 = tpu.memref_squeeze %dma_start3A_79 : memref<1x128x128xf32, #tpu.memory_space<vmem>> -> memref<128x128xf32, #tpu.memory_space<vmem>>
    tpu.enqueue_dma source(%dma_start3A_80 : memref<128x128xf32, #tpu.memory_space<vmem>>) target(%dma_start3A_76 : memref<128x128xf32, #tpu.memory_space<vmem_shared>>) target_semaphore(%arg10 : memref<!tpu.dma_semaphore, #tpu.memory_space<semaphore_mem>>)
    %add3A_81 = arith.constant 512 : i32
    %add3A_82 = arith.addi %mul3A_21, %add3A_81 : i32
    %dma_start3A_83 = arith.constant 0 : i32
    %dma_start3A_84 = arith.constant 0 : i32
    %dma_start3A_85 = arith.constant 0 : i32
    %dma_start3A_86 = tpu.memref_slice %arg8[%dma_start3A_83, %dma_start3A_84, %dma_start3A_85] : memref<2x128x128xf32, #tpu.memory_space<vmem>> -> memref<1x120x128xf32, #tpu.memory_space<vmem>>
    %dma_start3A_87 = tpu.memref_squeeze %dma_start3A_86 : memref<1x120x128xf32, #tpu.memory_space<vmem>> -> memref<120x128xf32, #tpu.memory_space<vmem>>
    %dma_start3A_88 = arith.constant 0 : i32
    %dma_start3A_89 = tpu.memref_slice %arg9[%add3A_82, %dma_start3A_88] : memref<10112x128xf32, #tpu.memory_space<vmem_shared>> -> memref<120x128xf32, #tpu.memory_space<vmem_shared>>
    %dma_start3A_90 = arith.constant 0 : i32
    %dma_start3A_91 = tpu.memref_slice %arg9[%add3A_82, %dma_start3A_90] : memref<10112x128xf32, #tpu.memory_space<vmem_shared>> -> memref<120x128xf32, #tpu.memory_space<vmem_shared>>
    %dma_start3A_92 = arith.constant 0 : i32
    %dma_start3A_93 = arith.constant 0 : i32
    %dma_start3A_94 = tpu.memref_slice %arg8[%dma_start3A_83, %dma_start3A_92, %dma_start3A_93] : memref<2x128x128xf32, #tpu.memory_space<vmem>> -> memref<1x120x128xf32, #tpu.memory_space<vmem>>
    %dma_start3A_95 = tpu.memref_squeeze %dma_start3A_94 : memref<1x120x128xf32, #tpu.memory_space<vmem>> -> memref<120x128xf32, #tpu.memory_space<vmem>>
    tpu.enqueue_dma source(%dma_start3A_95 : memref<120x128xf32, #tpu.memory_space<vmem>>) target(%dma_start3A_91 : memref<120x128xf32, #tpu.memory_space<vmem_shared>>) target_semaphore(%arg10 : memref<!tpu.dma_semaphore, #tpu.memory_space<semaphore_mem>>)
    %dma_wait3A = arith.constant 0 : i32
    %dma_wait3A_96 = arith.constant 0 : i32
    %dma_wait3A_97 = tpu.memref_slice %arg3[%arg1, %dma_wait3A, %dma_wait3A_96] : memref<16x80x128xi32, #tpu.memory_space<hbm>> -> memref<1x40x128xi32, #tpu.memory_space<hbm>>
    %dma_wait3A_98 = tpu.memref_squeeze %dma_wait3A_97 : memref<1x40x128xi32, #tpu.memory_space<hbm>> -> memref<40x128xi32, #tpu.memory_space<hbm>>
    %dma_wait3A_99 = arith.constant 0 : i32
    %dma_wait3A_100 = arith.constant 0 : i32
    %dma_wait3A_101 = tpu.memref_slice %arg3[%arg1, %dma_wait3A_99, %dma_wait3A_100] : memref<16x80x128xi32, #tpu.memory_space<hbm>> -> memref<1x40x128xi32, #tpu.memory_space<hbm>>
    %dma_wait3A_102 = tpu.memref_squeeze %dma_wait3A_101 : memref<1x40x128xi32, #tpu.memory_space<hbm>> -> memref<40x128xi32, #tpu.memory_space<hbm>>
    tpu.wait_dma2 semaphore(%arg10 : memref<!tpu.dma_semaphore, #tpu.memory_space<semaphore_mem>>) src(%dma_wait3A_102 : memref<40x128xi32, #tpu.memory_space<hbm>>) dst(%arg6 : memref<40x128xi32, #tpu.memory_space<vmem>>)
    %dma_wait3A_103 = arith.constant 0 : i32
    %dma_wait3A_104 = arith.constant 0 : i32
    %dma_wait3A_105 = tpu.memref_slice %arg4[%arg1, %dma_wait3A_103, %dma_wait3A_104] : memref<16x80x128xi32, #tpu.memory_space<hbm>> -> memref<1x40x128xi32, #tpu.memory_space<hbm>>
    %dma_wait3A_106 = tpu.memref_squeeze %dma_wait3A_105 : memref<1x40x128xi32, #tpu.memory_space<hbm>> -> memref<40x128xi32, #tpu.memory_space<hbm>>
    %dma_wait3A_107 = arith.constant 0 : i32
    %dma_wait3A_108 = arith.constant 0 : i32
    %dma_wait3A_109 = tpu.memref_slice %arg4[%arg1, %dma_wait3A_107, %dma_wait3A_108] : memref<16x80x128xi32, #tpu.memory_space<hbm>> -> memref<1x40x128xi32, #tpu.memory_space<hbm>>
    %dma_wait3A_110 = tpu.memref_squeeze %dma_wait3A_109 : memref<1x40x128xi32, #tpu.memory_space<hbm>> -> memref<40x128xi32, #tpu.memory_space<hbm>>
    tpu.wait_dma2 semaphore(%arg10 : memref<!tpu.dma_semaphore, #tpu.memory_space<semaphore_mem>>) src(%dma_wait3A_110 : memref<40x128xi32, #tpu.memory_space<hbm>>) dst(%arg7 : memref<40x128xi32, #tpu.memory_space<vmem>>)
    %add3A_111 = arith.constant 0 : i32
    %add3A_112 = arith.addi %mul3A_21, %add3A_111 : i32
    %dma_wait3A_113 = arith.constant 0 : i32
    %dma_wait3A_114 = arith.constant 0 : i32
    %dma_wait3A_115 = arith.constant 0 : i32
    %dma_wait3A_116 = tpu.memref_slice %arg8[%dma_wait3A_113, %dma_wait3A_114, %dma_wait3A_115] : memref<2x128x128xf32, #tpu.memory_space<vmem>> -> memref<1x128x128xf32, #tpu.memory_space<vmem>>
    %dma_wait3A_117 = tpu.memref_squeeze %dma_wait3A_116 : memref<1x128x128xf32, #tpu.memory_space<vmem>> -> memref<128x128xf32, #tpu.memory_space<vmem>>
    %dma_wait3A_118 = arith.constant 0 : i32
    %dma_wait3A_119 = tpu.memref_slice %arg9[%add3A_112, %dma_wait3A_118] : memref<10112x128xf32, #tpu.memory_space<vmem_shared>> -> memref<128x128xf32, #tpu.memory_space<vmem_shared>>
    %dma_wait3A_120 = arith.constant 0 : i32
    %dma_wait3A_121 = tpu.memref_slice %arg9[%add3A_112, %dma_wait3A_120] : memref<10112x128xf32, #tpu.memory_space<vmem_shared>> -> memref<128x128xf32, #tpu.memory_space<vmem_shared>>
    %dma_wait3A_122 = arith.constant 0 : i32
    %dma_wait3A_123 = arith.constant 0 : i32
    %dma_wait3A_124 = tpu.memref_slice %arg8[%dma_wait3A_113, %dma_wait3A_122, %dma_wait3A_123] : memref<2x128x128xf32, #tpu.memory_space<vmem>> -> memref<1x128x128xf32, #tpu.memory_space<vmem>>
    %dma_wait3A_125 = tpu.memref_squeeze %dma_wait3A_124 : memref<1x128x128xf32, #tpu.memory_space<vmem>> -> memref<128x128xf32, #tpu.memory_space<vmem>>
    tpu.wait_dma2 semaphore(%arg10 : memref<!tpu.dma_semaphore, #tpu.memory_space<semaphore_mem>>) src(%dma_wait3A_125 : memref<128x128xf32, #tpu.memory_space<vmem>>) dst(%dma_wait3A_121 : memref<128x128xf32, #tpu.memory_space<vmem_shared>>)
    %add3A_126 = arith.constant 128 : i32
    %add3A_127 = arith.addi %mul3A_21, %add3A_126 : i32
    %dma_wait3A_128 = arith.constant 0 : i32
    %dma_wait3A_129 = arith.constant 0 : i32
    %dma_wait3A_130 = arith.constant 0 : i32
    %dma_wait3A_131 = tpu.memref_slice %arg8[%dma_wait3A_128, %dma_wait3A_129, %dma_wait3A_130] : memref<2x128x128xf32, #tpu.memory_space<vmem>> -> memref<1x128x128xf32, #tpu.memory_space<vmem>>
    %dma_wait3A_132 = tpu.memref_squeeze %dma_wait3A_131 : memref<1x128x128xf32, #tpu.memory_space<vmem>> -> memref<128x128xf32, #tpu.memory_space<vmem>>
    %dma_wait3A_133 = arith.constant 0 : i32
    %dma_wait3A_134 = tpu.memref_slice %arg9[%add3A_127, %dma_wait3A_133] : memref<10112x128xf32, #tpu.memory_space<vmem_shared>> -> memref<128x128xf32, #tpu.memory_space<vmem_shared>>
    %dma_wait3A_135 = arith.constant 0 : i32
    %dma_wait3A_136 = tpu.memref_slice %arg9[%add3A_127, %dma_wait3A_135] : memref<10112x128xf32, #tpu.memory_space<vmem_shared>> -> memref<128x128xf32, #tpu.memory_space<vmem_shared>>
    %dma_wait3A_137 = arith.constant 0 : i32
    %dma_wait3A_138 = arith.constant 0 : i32
    %dma_wait3A_139 = tpu.memref_slice %arg8[%dma_wait3A_128, %dma_wait3A_137, %dma_wait3A_138] : memref<2x128x128xf32, #tpu.memory_space<vmem>> -> memref<1x128x128xf32, #tpu.memory_space<vmem>>
    %dma_wait3A_140 = tpu.memref_squeeze %dma_wait3A_139 : memref<1x128x128xf32, #tpu.memory_space<vmem>> -> memref<128x128xf32, #tpu.memory_space<vmem>>
    tpu.wait_dma2 semaphore(%arg10 : memref<!tpu.dma_semaphore, #tpu.memory_space<semaphore_mem>>) src(%dma_wait3A_140 : memref<128x128xf32, #tpu.memory_space<vmem>>) dst(%dma_wait3A_136 : memref<128x128xf32, #tpu.memory_space<vmem_shared>>)
    %add3A_141 = arith.constant 256 : i32
    %add3A_142 = arith.addi %mul3A_21, %add3A_141 : i32
    %dma_wait3A_143 = arith.constant 0 : i32
    %dma_wait3A_144 = arith.constant 0 : i32
    %dma_wait3A_145 = arith.constant 0 : i32
    %dma_wait3A_146 = tpu.memref_slice %arg8[%dma_wait3A_143, %dma_wait3A_144, %dma_wait3A_145] : memref<2x128x128xf32, #tpu.memory_space<vmem>> -> memref<1x128x128xf32, #tpu.memory_space<vmem>>
    %dma_wait3A_147 = tpu.memref_squeeze %dma_wait3A_146 : memref<1x128x128xf32, #tpu.memory_space<vmem>> -> memref<128x128xf32, #tpu.memory_space<vmem>>
    %dma_wait3A_148 = arith.constant 0 : i32
    %dma_wait3A_149 = tpu.memref_slice %arg9[%add3A_142, %dma_wait3A_148] : memref<10112x128xf32, #tpu.memory_space<vmem_shared>> -> memref<128x128xf32, #tpu.memory_space<vmem_shared>>
    %dma_wait3A_150 = arith.constant 0 : i32
    %dma_wait3A_151 = tpu.memref_slice %arg9[%add3A_142, %dma_wait3A_150] : memref<10112x128xf32, #tpu.memory_space<vmem_shared>> -> memref<128x128xf32, #tpu.memory_space<vmem_shared>>
    %dma_wait3A_152 = arith.constant 0 : i32
    %dma_wait3A_153 = arith.constant 0 : i32
    %dma_wait3A_154 = tpu.memref_slice %arg8[%dma_wait3A_143, %dma_wait3A_152, %dma_wait3A_153] : memref<2x128x128xf32, #tpu.memory_space<vmem>> -> memref<1x128x128xf32, #tpu.memory_space<vmem>>
    %dma_wait3A_155 = tpu.memref_squeeze %dma_wait3A_154 : memref<1x128x128xf32, #tpu.memory_space<vmem>> -> memref<128x128xf32, #tpu.memory_space<vmem>>
    tpu.wait_dma2 semaphore(%arg10 : memref<!tpu.dma_semaphore, #tpu.memory_space<semaphore_mem>>) src(%dma_wait3A_155 : memref<128x128xf32, #tpu.memory_space<vmem>>) dst(%dma_wait3A_151 : memref<128x128xf32, #tpu.memory_space<vmem_shared>>)
    %add3A_156 = arith.constant 384 : i32
    %add3A_157 = arith.addi %mul3A_21, %add3A_156 : i32
    %dma_wait3A_158 = arith.constant 0 : i32
    %dma_wait3A_159 = arith.constant 0 : i32
    %dma_wait3A_160 = arith.constant 0 : i32
    %dma_wait3A_161 = tpu.memref_slice %arg8[%dma_wait3A_158, %dma_wait3A_159, %dma_wait3A_160] : memref<2x128x128xf32, #tpu.memory_space<vmem>> -> memref<1x128x128xf32, #tpu.memory_space<vmem>>
    %dma_wait3A_162 = tpu.memref_squeeze %dma_wait3A_161 : memref<1x128x128xf32, #tpu.memory_space<vmem>> -> memref<128x128xf32, #tpu.memory_space<vmem>>
    %dma_wait3A_163 = arith.constant 0 : i32
    %dma_wait3A_164 = tpu.memref_slice %arg9[%add3A_157, %dma_wait3A_163] : memref<10112x128xf32, #tpu.memory_space<vmem_shared>> -> memref<128x128xf32, #tpu.memory_space<vmem_shared>>
    %dma_wait3A_165 = arith.constant 0 : i32
    %dma_wait3A_166 = tpu.memref_slice %arg9[%add3A_157, %dma_wait3A_165] : memref<10112x128xf32, #tpu.memory_space<vmem_shared>> -> memref<128x128xf32, #tpu.memory_space<vmem_shared>>
    %dma_wait3A_167 = arith.constant 0 : i32
    %dma_wait3A_168 = arith.constant 0 : i32
    %dma_wait3A_169 = tpu.memref_slice %arg8[%dma_wait3A_158, %dma_wait3A_167, %dma_wait3A_168] : memref<2x128x128xf32, #tpu.memory_space<vmem>> -> memref<1x128x128xf32, #tpu.memory_space<vmem>>
    %dma_wait3A_170 = tpu.memref_squeeze %dma_wait3A_169 : memref<1x128x128xf32, #tpu.memory_space<vmem>> -> memref<128x128xf32, #tpu.memory_space<vmem>>
    tpu.wait_dma2 semaphore(%arg10 : memref<!tpu.dma_semaphore, #tpu.memory_space<semaphore_mem>>) src(%dma_wait3A_170 : memref<128x128xf32, #tpu.memory_space<vmem>>) dst(%dma_wait3A_166 : memref<128x128xf32, #tpu.memory_space<vmem_shared>>)
    %add3A_171 = arith.constant 512 : i32
    %add3A_172 = arith.addi %mul3A_21, %add3A_171 : i32
    %dma_wait3A_173 = arith.constant 0 : i32
    %dma_wait3A_174 = arith.constant 0 : i32
    %dma_wait3A_175 = arith.constant 0 : i32
    %dma_wait3A_176 = tpu.memref_slice %arg8[%dma_wait3A_173, %dma_wait3A_174, %dma_wait3A_175] : memref<2x128x128xf32, #tpu.memory_space<vmem>> -> memref<1x120x128xf32, #tpu.memory_space<vmem>>
    %dma_wait3A_177 = tpu.memref_squeeze %dma_wait3A_176 : memref<1x120x128xf32, #tpu.memory_space<vmem>> -> memref<120x128xf32, #tpu.memory_space<vmem>>
    %dma_wait3A_178 = arith.constant 0 : i32
    %dma_wait3A_179 = tpu.memref_slice %arg9[%add3A_172, %dma_wait3A_178] : memref<10112x128xf32, #tpu.memory_space<vmem_shared>> -> memref<120x128xf32, #tpu.memory_space<vmem_shared>>
    %dma_wait3A_180 = arith.constant 0 : i32
    %dma_wait3A_181 = tpu.memref_slice %arg9[%add3A_172, %dma_wait3A_180] : memref<10112x128xf32, #tpu.memory_space<vmem_shared>> -> memref<120x128xf32, #tpu.memory_space<vmem_shared>>
    %dma_wait3A_182 = arith.constant 0 : i32
    %dma_wait3A_183 = arith.constant 0 : i32
    %dma_wait3A_184 = tpu.memref_slice %arg8[%dma_wait3A_173, %dma_wait3A_182, %dma_wait3A_183] : memref<2x128x128xf32, #tpu.memory_space<vmem>> -> memref<1x120x128xf32, #tpu.memory_space<vmem>>
    %dma_wait3A_185 = tpu.memref_squeeze %dma_wait3A_184 : memref<1x120x128xf32, #tpu.memory_space<vmem>> -> memref<120x128xf32, #tpu.memory_space<vmem>>
    tpu.wait_dma2 semaphore(%arg10 : memref<!tpu.dma_semaphore, #tpu.memory_space<semaphore_mem>>) src(%dma_wait3A_185 : memref<120x128xf32, #tpu.memory_space<vmem>>) dst(%dma_wait3A_181 : memref<120x128xf32, #tpu.memory_space<vmem_shared>>)
    %barrier3A = arith.constant 0 : index
    tpu.barrier barrier_id(%barrier3A)
    %dma_start3A_186 = arith.constant 0 : i32
    %dma_start3A_187 = arith.constant 0 : i32
    %dma_start3A_188 = arith.constant 0 : i32
    %dma_start3A_189 = arith.constant 0 : i32
    %dma_start3A_190 = tpu.memref_slice %arg8[%dma_start3A_187, %dma_start3A_188, %dma_start3A_189] : memref<2x128x128xf32, #tpu.memory_space<vmem>> -> memref<1x128x128xf32, #tpu.memory_space<vmem>>
    %dma_start3A_191 = tpu.memref_squeeze %dma_start3A_190 : memref<1x128x128xf32, #tpu.memory_space<vmem>> -> memref<128x128xf32, #tpu.memory_space<vmem>>
    %dma_start3A_192 = arith.constant 0 : i32
    %dma_start3A_193 = tpu.memref_slice %arg6[%dma_start3A_186, %dma_start3A_192] : memref<40x128xi32, #tpu.memory_space<vmem>> -> memref<1x128xi32, #tpu.memory_space<vmem>>
    %dma_start3A_194 = tpu.memref_squeeze %dma_start3A_193 : memref<1x128xi32, #tpu.memory_space<vmem>> -> memref<128xi32, #tpu.memory_space<vmem>>
    %dma_start3A_195 = arith.constant 0 : i32
    %dma_start3A_196 = arith.constant 0 : i32
    %dma_start3A_197 = tpu.memref_slice %arg2[%arg0, %dma_start3A_195, %dma_start3A_196] : memref<2x10000x128xf32, #tpu.memory_space<hbm>> -> memref<1x10000x128xf32, #tpu.memory_space<hbm>>
    %dma_start3A_198 = tpu.memref_squeeze %dma_start3A_197 : memref<1x10000x128xf32, #tpu.memory_space<hbm>> -> memref<10000x128xf32, #tpu.memory_space<hbm>>
    %dma_start3A_199 = arith.constant 0 : i32
    %dma_start3A_200 = arith.constant 0 : i32
    %dma_start3A_201 = tpu.memref_slice %dma_start3A_198[%dma_start3A_199, %dma_start3A_200] : memref<10000x128xf32, #tpu.memory_space<hbm>> -> memref<10000x128xf32, #tpu.memory_space<hbm>>
    tpu.enqueue_indirect_dma source(%dma_start3A_201 : memref<10000x128xf32, #tpu.memory_space<hbm>>) target(%dma_start3A_191 : memref<128x128xf32, #tpu.memory_space<vmem>>) offsets(%dma_start3A_194 : memref<128xi32, #tpu.memory_space<vmem>>) semaphore(%arg10 : memref<!tpu.dma_semaphore, #tpu.memory_space<semaphore_mem>>)
    %scan3A_202 = arith.constant 0 : i32
    %scan3A_203 = arith.constant 0 : i32
    %scan3A_204 = arith.constant 40 : i32
    %scan3A_205 = arith.addi %scan3A_203, %scan3A_204 : i32
    %scan3A_206 = arith.constant 1 : i32
    scf.for %scan3A_231 = %scan3A_203 to %scan3A_205 step %scan3A_206  : i32 {
      %rem3A = arith.constant 2 : i32
      %rem3A_232 = arith.remsi %scan3A_231, %rem3A : i32
      %dma_wait3A_233 = arith.constant 0 : i32
      %dma_wait3A_234 = arith.constant 0 : i32
      %dma_wait3A_235 = tpu.memref_slice %arg8[%rem3A_232, %dma_wait3A_233, %dma_wait3A_234] : memref<2x128x128xf32, #tpu.memory_space<vmem>> -> memref<1x128x128xf32, #tpu.memory_space<vmem>>
      %dma_wait3A_236 = tpu.memref_squeeze %dma_wait3A_235 : memref<1x128x128xf32, #tpu.memory_space<vmem>> -> memref<128x128xf32, #tpu.memory_space<vmem>>
      %dma_wait3A_237 = arith.constant 0 : i32
      %dma_wait3A_238 = tpu.memref_slice %arg6[%scan3A_231, %dma_wait3A_237] : memref<40x128xi32, #tpu.memory_space<vmem>> -> memref<1x128xi32, #tpu.memory_space<vmem>>
      %dma_wait3A_239 = tpu.memref_squeeze %dma_wait3A_238 : memref<1x128xi32, #tpu.memory_space<vmem>> -> memref<128xi32, #tpu.memory_space<vmem>>
      %dma_wait3A_240 = arith.constant 0 : i32
      %dma_wait3A_241 = arith.constant 0 : i32
      %dma_wait3A_242 = tpu.memref_slice %arg2[%arg0, %dma_wait3A_240, %dma_wait3A_241] : memref<2x10000x128xf32, #tpu.memory_space<hbm>> -> memref<1x10000x128xf32, #tpu.memory_space<hbm>>
      %dma_wait3A_243 = tpu.memref_squeeze %dma_wait3A_242 : memref<1x10000x128xf32, #tpu.memory_space<hbm>> -> memref<10000x128xf32, #tpu.memory_space<hbm>>
      %dma_wait3A_244 = arith.constant 0 : i32
      %dma_wait3A_245 = arith.constant 0 : i32
      %dma_wait3A_246 = tpu.memref_slice %dma_wait3A_243[%dma_wait3A_244, %dma_wait3A_245] : memref<10000x128xf32, #tpu.memory_space<hbm>> -> memref<10000x128xf32, #tpu.memory_space<hbm>>
      tpu.wait_indirect_dma semaphore(%arg10 : memref<!tpu.dma_semaphore, #tpu.memory_space<semaphore_mem>>) src(%dma_wait3A_246 : memref<10000x128xf32, #tpu.memory_space<hbm>>) dst(%dma_wait3A_236 : memref<128x128xf32, #tpu.memory_space<vmem>>)
      %add3A_247 = arith.constant 1 : i32
      %add3A_248 = arith.addi %scan3A_231, %add3A_247 : i32
      %lt3A = arith.constant 40 : i32
      %lt3A_249 = arith.cmpi slt, %add3A_248, %lt3A : i32
      %convert_element_type3A = arith.extui %lt3A_249 : i1 to i32
      %cond3A = arith.constant 0 : i32
      %cond3A_250 = arith.cmpi ne, %convert_element_type3A, %cond3A : i32
      scf.if %cond3A_250 {
        %add3A_251 = arith.constant 1 : i32
        %add3A_252 = arith.addi %scan3A_231, %add3A_251 : i32
        %sub3A = arith.constant 1 : i32
        %sub3A_253 = arith.subi %sub3A, %rem3A_232 : i32
        %dma_start3A_254 = arith.constant 0 : i32
        %dma_start3A_255 = arith.constant 0 : i32
        %dma_start3A_256 = tpu.memref_slice %arg8[%sub3A_253, %dma_start3A_254, %dma_start3A_255] : memref<2x128x128xf32, #tpu.memory_space<vmem>> -> memref<1x128x128xf32, #tpu.memory_space<vmem>>
        %dma_start3A_257 = tpu.memref_squeeze %dma_start3A_256 : memref<1x128x128xf32, #tpu.memory_space<vmem>> -> memref<128x128xf32, #tpu.memory_space<vmem>>
        %dma_start3A_258 = arith.constant 0 : i32
        %dma_start3A_259 = tpu.memref_slice %arg6[%add3A_252, %dma_start3A_258] : memref<40x128xi32, #tpu.memory_space<vmem>> -> memref<1x128xi32, #tpu.memory_space<vmem>>
        %dma_start3A_260 = tpu.memref_squeeze %dma_start3A_259 : memref<1x128xi32, #tpu.memory_space<vmem>> -> memref<128xi32, #tpu.memory_space<vmem>>
        %dma_start3A_261 = arith.constant 0 : i32
        %dma_start3A_262 = arith.constant 0 : i32
        %dma_start3A_263 = tpu.memref_slice %arg2[%arg0, %dma_start3A_261, %dma_start3A_262] : memref<2x10000x128xf32, #tpu.memory_space<hbm>> -> memref<1x10000x128xf32, #tpu.memory_space<hbm>>
        %dma_start3A_264 = tpu.memref_squeeze %dma_start3A_263 : memref<1x10000x128xf32, #tpu.memory_space<hbm>> -> memref<10000x128xf32, #tpu.memory_space<hbm>>
        %dma_start3A_265 = arith.constant 0 : i32
        %dma_start3A_266 = arith.constant 0 : i32
        %dma_start3A_267 = tpu.memref_slice %dma_start3A_264[%dma_start3A_265, %dma_start3A_266] : memref<10000x128xf32, #tpu.memory_space<hbm>> -> memref<10000x128xf32, #tpu.memory_space<hbm>>
        tpu.enqueue_indirect_dma source(%dma_start3A_267 : memref<10000x128xf32, #tpu.memory_space<hbm>>) target(%dma_start3A_257 : memref<128x128xf32, #tpu.memory_space<vmem>>) offsets(%dma_start3A_260 : memref<128xi32, #tpu.memory_space<vmem>>) semaphore(%arg10 : memref<!tpu.dma_semaphore, #tpu.memory_space<semaphore_mem>>)
      } else {
      }
      "tpu.region"() ({
        %run_scoped3A = tpu.sem_alloc : memref<!tpu.dma_semaphore, #tpu.memory_space<semaphore_mem>>
        %dma_start3A_251 = arith.constant 0 : i32
        %dma_start3A_252 = arith.constant 0 : i32
        %dma_start3A_253 = tpu.memref_slice %arg8[%rem3A_232, %dma_start3A_251, %dma_start3A_252] : memref<2x128x128xf32, #tpu.memory_space<vmem>> -> memref<1x128x128xf32, #tpu.memory_space<vmem>>
        %dma_start3A_254 = tpu.memref_squeeze %dma_start3A_253 : memref<1x128x128xf32, #tpu.memory_space<vmem>> -> memref<128x128xf32, #tpu.memory_space<vmem>>
        %dma_start3A_255 = arith.constant 0 : i32
        %dma_start3A_256 = tpu.memref_slice %arg7[%scan3A_231, %dma_start3A_255] : memref<40x128xi32, #tpu.memory_space<vmem>> -> memref<1x128xi32, #tpu.memory_space<vmem>>
        %dma_start3A_257 = tpu.memref_squeeze %dma_start3A_256 : memref<1x128xi32, #tpu.memory_space<vmem>> -> memref<128xi32, #tpu.memory_space<vmem>>
        %dma_start3A_258 = arith.constant 0 : i32
        %dma_start3A_259 = arith.constant 0 : i32
        %dma_start3A_260 = tpu.memref_slice %arg9[%dma_start3A_258, %dma_start3A_259] : memref<10112x128xf32, #tpu.memory_space<vmem_shared>> -> memref<10112x128xf32, #tpu.memory_space<vmem_shared>>
        tpu.enqueue_indirect_dma source(%dma_start3A_254 : memref<128x128xf32, #tpu.memory_space<vmem>>) target(%dma_start3A_260 : memref<10112x128xf32, #tpu.memory_space<vmem_shared>>) offsets(%dma_start3A_257 : memref<128xi32, #tpu.memory_space<vmem>>) semaphore(%run_scoped3A : memref<!tpu.dma_semaphore, #tpu.memory_space<semaphore_mem>>) {add = true}
        %dma_wait3A_261 = arith.constant 0 : i32
        %dma_wait3A_262 = arith.constant 0 : i32
        %dma_wait3A_263 = tpu.memref_slice %arg8[%rem3A_232, %dma_wait3A_261, %dma_wait3A_262] : memref<2x128x128xf32, #tpu.memory_space<vmem>> -> memref<1x128x128xf32, #tpu.memory_space<vmem>>
        %dma_wait3A_264 = tpu.memref_squeeze %dma_wait3A_263 : memref<1x128x128xf32, #tpu.memory_space<vmem>> -> memref<128x128xf32, #tpu.memory_space<vmem>>
        %dma_wait3A_265 = arith.constant 0 : i32
        %dma_wait3A_266 = tpu.memref_slice %arg7[%scan3A_231, %dma_wait3A_265] : memref<40x128xi32, #tpu.memory_space<vmem>> -> memref<1x128xi32, #tpu.memory_space<vmem>>
        %dma_wait3A_267 = tpu.memref_squeeze %dma_wait3A_266 : memref<1x128xi32, #tpu.memory_space<vmem>> -> memref<128xi32, #tpu.memory_space<vmem>>
        %dma_wait3A_268 = arith.constant 0 : i32
        %dma_wait3A_269 = arith.constant 0 : i32
        %dma_wait3A_270 = tpu.memref_slice %arg9[%dma_wait3A_268, %dma_wait3A_269] : memref<10112x128xf32, #tpu.memory_space<vmem_shared>> -> memref<10112x128xf32, #tpu.memory_space<vmem_shared>>
        tpu.wait_indirect_dma semaphore(%run_scoped3A : memref<!tpu.dma_semaphore, #tpu.memory_space<semaphore_mem>>) src(%dma_wait3A_264 : memref<128x128xf32, #tpu.memory_space<vmem>>) dst(%dma_wait3A_270 : memref<10112x128xf32, #tpu.memory_space<vmem_shared>>)
        tpu.yield
      }) : () -> ()
    }
    %scan3A_207 = arith.constant 40 : i32
    "tpu.region"() ({
      %run_scoped3A = tpu.sem_alloc : memref<!tpu.dma_semaphore, #tpu.memory_space<semaphore_mem>>
      %dma_start3A_231 = arith.constant 40 : i32
      %dma_start3A_232 = arith.constant 0 : i32
      %dma_start3A_233 = tpu.memref_slice %arg3[%arg1, %dma_start3A_231, %dma_start3A_232] : memref<16x80x128xi32, #tpu.memory_space<hbm>> -> memref<1x40x128xi32, #tpu.memory_space<hbm>>
      %dma_start3A_234 = tpu.memref_squeeze %dma_start3A_233 : memref<1x40x128xi32, #tpu.memory_space<hbm>> -> memref<40x128xi32, #tpu.memory_space<hbm>>
      %dma_start3A_235 = arith.constant 40 : i32
      %dma_start3A_236 = arith.constant 0 : i32
      %dma_start3A_237 = tpu.memref_slice %arg3[%arg1, %dma_start3A_235, %dma_start3A_236] : memref<16x80x128xi32, #tpu.memory_space<hbm>> -> memref<1x40x128xi32, #tpu.memory_space<hbm>>
      %dma_start3A_238 = tpu.memref_squeeze %dma_start3A_237 : memref<1x40x128xi32, #tpu.memory_space<hbm>> -> memref<40x128xi32, #tpu.memory_space<hbm>>
      tpu.enqueue_dma source(%dma_start3A_238 : memref<40x128xi32, #tpu.memory_space<hbm>>) target(%arg6 : memref<40x128xi32, #tpu.memory_space<vmem>>) target_semaphore(%run_scoped3A : memref<!tpu.dma_semaphore, #tpu.memory_space<semaphore_mem>>)
      %dma_wait3A_239 = arith.constant 40 : i32
      %dma_wait3A_240 = arith.constant 0 : i32
      %dma_wait3A_241 = tpu.memref_slice %arg3[%arg1, %dma_wait3A_239, %dma_wait3A_240] : memref<16x80x128xi32, #tpu.memory_space<hbm>> -> memref<1x40x128xi32, #tpu.memory_space<hbm>>
      %dma_wait3A_242 = tpu.memref_squeeze %dma_wait3A_241 : memref<1x40x128xi32, #tpu.memory_space<hbm>> -> memref<40x128xi32, #tpu.memory_space<hbm>>
      %dma_wait3A_243 = arith.constant 40 : i32
      %dma_wait3A_244 = arith.constant 0 : i32
      %dma_wait3A_245 = tpu.memref_slice %arg3[%arg1, %dma_wait3A_243, %dma_wait3A_244] : memref<16x80x128xi32, #tpu.memory_space<hbm>> -> memref<1x40x128xi32, #tpu.memory_space<hbm>>
      %dma_wait3A_246 = tpu.memref_squeeze %dma_wait3A_245 : memref<1x40x128xi32, #tpu.memory_space<hbm>> -> memref<40x128xi32, #tpu.memory_space<hbm>>
      tpu.wait_dma2 semaphore(%run_scoped3A : memref<!tpu.dma_semaphore, #tpu.memory_space<semaphore_mem>>) src(%dma_wait3A_246 : memref<40x128xi32, #tpu.memory_space<hbm>>) dst(%arg6 : memref<40x128xi32, #tpu.memory_space<vmem>>)
      tpu.yield
    }) : () -> ()
    "tpu.region"() ({
      %run_scoped3A = tpu.sem_alloc : memref<!tpu.dma_semaphore, #tpu.memory_space<semaphore_mem>>
      %dma_start3A_231 = arith.constant 40 : i32
      %dma_start3A_232 = arith.constant 0 : i32
      %dma_start3A_233 = tpu.memref_slice %arg4[%arg1, %dma_start3A_231, %dma_start3A_232] : memref<16x80x128xi32, #tpu.memory_space<hbm>> -> memref<1x40x128xi32, #tpu.memory_space<hbm>>
      %dma_start3A_234 = tpu.memref_squeeze %dma_start3A_233 : memref<1x40x128xi32, #tpu.memory_space<hbm>> -> memref<40x128xi32, #tpu.memory_space<hbm>>
      %dma_start3A_235 = arith.constant 40 : i32
      %dma_start3A_236 = arith.constant 0 : i32
      %dma_start3A_237 = tpu.memref_slice %arg4[%arg1, %dma_start3A_235, %dma_start3A_236] : memref<16x80x128xi32, #tpu.memory_space<hbm>> -> memref<1x40x128xi32, #tpu.memory_space<hbm>>
      %dma_start3A_238 = tpu.memref_squeeze %dma_start3A_237 : memref<1x40x128xi32, #tpu.memory_space<hbm>> -> memref<40x128xi32, #tpu.memory_space<hbm>>
      tpu.enqueue_dma source(%dma_start3A_238 : memref<40x128xi32, #tpu.memory_space<hbm>>) target(%arg7 : memref<40x128xi32, #tpu.memory_space<vmem>>) target_semaphore(%run_scoped3A : memref<!tpu.dma_semaphore, #tpu.memory_space<semaphore_mem>>)
      %dma_wait3A_239 = arith.constant 40 : i32
      %dma_wait3A_240 = arith.constant 0 : i32
      %dma_wait3A_241 = tpu.memref_slice %arg4[%arg1, %dma_wait3A_239, %dma_wait3A_240] : memref<16x80x128xi32, #tpu.memory_space<hbm>> -> memref<1x40x128xi32, #tpu.memory_space<hbm>>
      %dma_wait3A_242 = tpu.memref_squeeze %dma_wait3A_241 : memref<1x40x128xi32, #tpu.memory_space<hbm>> -> memref<40x128xi32, #tpu.memory_space<hbm>>
      %dma_wait3A_243 = arith.constant 40 : i32
      %dma_wait3A_244 = arith.constant 0 : i32
      %dma_wait3A_245 = tpu.memref_slice %arg4[%arg1, %dma_wait3A_243, %dma_wait3A_244] : memref<16x80x128xi32, #tpu.memory_space<hbm>> -> memref<1x40x128xi32, #tpu.memory_space<hbm>>
      %dma_wait3A_246 = tpu.memref_squeeze %dma_wait3A_245 : memref<1x40x128xi32, #tpu.memory_space<hbm>> -> memref<40x128xi32, #tpu.memory_space<hbm>>
      tpu.wait_dma2 semaphore(%run_scoped3A : memref<!tpu.dma_semaphore, #tpu.memory_space<semaphore_mem>>) src(%dma_wait3A_246 : memref<40x128xi32, #tpu.memory_space<hbm>>) dst(%arg7 : memref<40x128xi32, #tpu.memory_space<vmem>>)
      tpu.yield
    }) : () -> ()
    %dma_start3A_208 = arith.constant 0 : i32
    %dma_start3A_209 = arith.constant 0 : i32
    %dma_start3A_210 = arith.constant 0 : i32
    %dma_start3A_211 = arith.constant 0 : i32
    %dma_start3A_212 = tpu.memref_slice %arg8[%dma_start3A_209, %dma_start3A_210, %dma_start3A_211] : memref<2x128x128xf32, #tpu.memory_space<vmem>> -> memref<1x128x128xf32, #tpu.memory_space<vmem>>
    %dma_start3A_213 = tpu.memref_squeeze %dma_start3A_212 : memref<1x128x128xf32, #tpu.memory_space<vmem>> -> memref<128x128xf32, #tpu.memory_space<vmem>>
    %dma_start3A_214 = arith.constant 0 : i32
    %dma_start3A_215 = tpu.memref_slice %arg6[%dma_start3A_208, %dma_start3A_214] : memref<40x128xi32, #tpu.memory_space<vmem>> -> memref<1x128xi32, #tpu.memory_space<vmem>>
    %dma_start3A_216 = tpu.memref_squeeze %dma_start3A_215 : memref<1x128xi32, #tpu.memory_space<vmem>> -> memref<128xi32, #tpu.memory_space<vmem>>
    %dma_start3A_217 = arith.constant 0 : i32
    %dma_start3A_218 = arith.constant 0 : i32
    %dma_start3A_219 = tpu.memref_slice %arg2[%arg0, %dma_start3A_217, %dma_start3A_218] : memref<2x10000x128xf32, #tpu.memory_space<hbm>> -> memref<1x10000x128xf32, #tpu.memory_space<hbm>>
    %dma_start3A_220 = tpu.memref_squeeze %dma_start3A_219 : memref<1x10000x128xf32, #tpu.memory_space<hbm>> -> memref<10000x128xf32, #tpu.memory_space<hbm>>
    %dma_start3A_221 = arith.constant 0 : i32
    %dma_start3A_222 = arith.constant 0 : i32
    %dma_start3A_223 = tpu.memref_slice %dma_start3A_220[%dma_start3A_221, %dma_start3A_222] : memref<10000x128xf32, #tpu.memory_space<hbm>> -> memref<10000x128xf32, #tpu.memory_space<hbm>>
    tpu.enqueue_indirect_dma source(%dma_start3A_223 : memref<10000x128xf32, #tpu.memory_space<hbm>>) target(%dma_start3A_213 : memref<128x128xf32, #tpu.memory_space<vmem>>) offsets(%dma_start3A_216 : memref<128xi32, #tpu.memory_space<vmem>>) semaphore(%arg10 : memref<!tpu.dma_semaphore, #tpu.memory_space<semaphore_mem>>)
    %scan3A_224 = arith.constant 0 : i32
    %scan3A_225 = arith.constant 0 : i32
    %scan3A_226 = arith.constant 39 : i32
    %scan3A_227 = arith.addi %scan3A_225, %scan3A_226 : i32
    %scan3A_228 = arith.constant 1 : i32
    scf.for %scan3A_231 = %scan3A_225 to %scan3A_227 step %scan3A_228  : i32 {
      %rem3A = arith.constant 2 : i32
      %rem3A_232 = arith.remsi %scan3A_231, %rem3A : i32
      %dma_wait3A_233 = arith.constant 0 : i32
      %dma_wait3A_234 = arith.constant 0 : i32
      %dma_wait3A_235 = tpu.memref_slice %arg8[%rem3A_232, %dma_wait3A_233, %dma_wait3A_234] : memref<2x128x128xf32, #tpu.memory_space<vmem>> -> memref<1x128x128xf32, #tpu.memory_space<vmem>>
      %dma_wait3A_236 = tpu.memref_squeeze %dma_wait3A_235 : memref<1x128x128xf32, #tpu.memory_space<vmem>> -> memref<128x128xf32, #tpu.memory_space<vmem>>
      %dma_wait3A_237 = arith.constant 0 : i32
      %dma_wait3A_238 = tpu.memref_slice %arg6[%scan3A_231, %dma_wait3A_237] : memref<40x128xi32, #tpu.memory_space<vmem>> -> memref<1x128xi32, #tpu.memory_space<vmem>>
      %dma_wait3A_239 = tpu.memref_squeeze %dma_wait3A_238 : memref<1x128xi32, #tpu.memory_space<vmem>> -> memref<128xi32, #tpu.memory_space<vmem>>
      %dma_wait3A_240 = arith.constant 0 : i32
      %dma_wait3A_241 = arith.constant 0 : i32
      %dma_wait3A_242 = tpu.memref_slice %arg2[%arg0, %dma_wait3A_240, %dma_wait3A_241] : memref<2x10000x128xf32, #tpu.memory_space<hbm>> -> memref<1x10000x128xf32, #tpu.memory_space<hbm>>
      %dma_wait3A_243 = tpu.memref_squeeze %dma_wait3A_242 : memref<1x10000x128xf32, #tpu.memory_space<hbm>> -> memref<10000x128xf32, #tpu.memory_space<hbm>>
      %dma_wait3A_244 = arith.constant 0 : i32
      %dma_wait3A_245 = arith.constant 0 : i32
      %dma_wait3A_246 = tpu.memref_slice %dma_wait3A_243[%dma_wait3A_244, %dma_wait3A_245] : memref<10000x128xf32, #tpu.memory_space<hbm>> -> memref<10000x128xf32, #tpu.memory_space<hbm>>
      tpu.wait_indirect_dma semaphore(%arg10 : memref<!tpu.dma_semaphore, #tpu.memory_space<semaphore_mem>>) src(%dma_wait3A_246 : memref<10000x128xf32, #tpu.memory_space<hbm>>) dst(%dma_wait3A_236 : memref<128x128xf32, #tpu.memory_space<vmem>>)
      %add3A_247 = arith.constant 1 : i32
      %add3A_248 = arith.addi %scan3A_231, %add3A_247 : i32
      %lt3A = arith.constant 39 : i32
      %lt3A_249 = arith.cmpi slt, %add3A_248, %lt3A : i32
      %convert_element_type3A = arith.extui %lt3A_249 : i1 to i32
      %cond3A = arith.constant 0 : i32
      %cond3A_250 = arith.cmpi ne, %convert_element_type3A, %cond3A : i32
      scf.if %cond3A_250 {
        %add3A_251 = arith.constant 1 : i32
        %add3A_252 = arith.addi %scan3A_231, %add3A_251 : i32
        %sub3A = arith.constant 1 : i32
        %sub3A_253 = arith.subi %sub3A, %rem3A_232 : i32
        %dma_start3A_254 = arith.constant 0 : i32
        %dma_start3A_255 = arith.constant 0 : i32
        %dma_start3A_256 = tpu.memref_slice %arg8[%sub3A_253, %dma_start3A_254, %dma_start3A_255] : memref<2x128x128xf32, #tpu.memory_space<vmem>> -> memref<1x128x128xf32, #tpu.memory_space<vmem>>
        %dma_start3A_257 = tpu.memref_squeeze %dma_start3A_256 : memref<1x128x128xf32, #tpu.memory_space<vmem>> -> memref<128x128xf32, #tpu.memory_space<vmem>>
        %dma_start3A_258 = arith.constant 0 : i32
        %dma_start3A_259 = tpu.memref_slice %arg6[%add3A_252, %dma_start3A_258] : memref<40x128xi32, #tpu.memory_space<vmem>> -> memref<1x128xi32, #tpu.memory_space<vmem>>
        %dma_start3A_260 = tpu.memref_squeeze %dma_start3A_259 : memref<1x128xi32, #tpu.memory_space<vmem>> -> memref<128xi32, #tpu.memory_space<vmem>>
        %dma_start3A_261 = arith.constant 0 : i32
        %dma_start3A_262 = arith.constant 0 : i32
        %dma_start3A_263 = tpu.memref_slice %arg2[%arg0, %dma_start3A_261, %dma_start3A_262] : memref<2x10000x128xf32, #tpu.memory_space<hbm>> -> memref<1x10000x128xf32, #tpu.memory_space<hbm>>
        %dma_start3A_264 = tpu.memref_squeeze %dma_start3A_263 : memref<1x10000x128xf32, #tpu.memory_space<hbm>> -> memref<10000x128xf32, #tpu.memory_space<hbm>>
        %dma_start3A_265 = arith.constant 0 : i32
        %dma_start3A_266 = arith.constant 0 : i32
        %dma_start3A_267 = tpu.memref_slice %dma_start3A_264[%dma_start3A_265, %dma_start3A_266] : memref<10000x128xf32, #tpu.memory_space<hbm>> -> memref<10000x128xf32, #tpu.memory_space<hbm>>
        tpu.enqueue_indirect_dma source(%dma_start3A_267 : memref<10000x128xf32, #tpu.memory_space<hbm>>) target(%dma_start3A_257 : memref<128x128xf32, #tpu.memory_space<vmem>>) offsets(%dma_start3A_260 : memref<128xi32, #tpu.memory_space<vmem>>) semaphore(%arg10 : memref<!tpu.dma_semaphore, #tpu.memory_space<semaphore_mem>>)
      } else {
      }
      "tpu.region"() ({
        %run_scoped3A = tpu.sem_alloc : memref<!tpu.dma_semaphore, #tpu.memory_space<semaphore_mem>>
        %dma_start3A_251 = arith.constant 0 : i32
        %dma_start3A_252 = arith.constant 0 : i32
        %dma_start3A_253 = tpu.memref_slice %arg8[%rem3A_232, %dma_start3A_251, %dma_start3A_252] : memref<2x128x128xf32, #tpu.memory_space<vmem>> -> memref<1x128x128xf32, #tpu.memory_space<vmem>>
        %dma_start3A_254 = tpu.memref_squeeze %dma_start3A_253 : memref<1x128x128xf32, #tpu.memory_space<vmem>> -> memref<128x128xf32, #tpu.memory_space<vmem>>
        %dma_start3A_255 = arith.constant 0 : i32
        %dma_start3A_256 = tpu.memref_slice %arg7[%scan3A_231, %dma_start3A_255] : memref<40x128xi32, #tpu.memory_space<vmem>> -> memref<1x128xi32, #tpu.memory_space<vmem>>
        %dma_start3A_257 = tpu.memref_squeeze %dma_start3A_256 : memref<1x128xi32, #tpu.memory_space<vmem>> -> memref<128xi32, #tpu.memory_space<vmem>>
        %dma_start3A_258 = arith.constant 0 : i32
        %dma_start3A_259 = arith.constant 0 : i32
        %dma_start3A_260 = tpu.memref_slice %arg9[%dma_start3A_258, %dma_start3A_259] : memref<10112x128xf32, #tpu.memory_space<vmem_shared>> -> memref<10112x128xf32, #tpu.memory_space<vmem_shared>>
        tpu.enqueue_indirect_dma source(%dma_start3A_254 : memref<128x128xf32, #tpu.memory_space<vmem>>) target(%dma_start3A_260 : memref<10112x128xf32, #tpu.memory_space<vmem_shared>>) offsets(%dma_start3A_257 : memref<128xi32, #tpu.memory_space<vmem>>) semaphore(%run_scoped3A : memref<!tpu.dma_semaphore, #tpu.memory_space<semaphore_mem>>) {add = true}
        %dma_wait3A_261 = arith.constant 0 : i32
        %dma_wait3A_262 = arith.constant 0 : i32
        %dma_wait3A_263 = tpu.memref_slice %arg8[%rem3A_232, %dma_wait3A_261, %dma_wait3A_262] : memref<2x128x128xf32, #tpu.memory_space<vmem>> -> memref<1x128x128xf32, #tpu.memory_space<vmem>>
        %dma_wait3A_264 = tpu.memref_squeeze %dma_wait3A_263 : memref<1x128x128xf32, #tpu.memory_space<vmem>> -> memref<128x128xf32, #tpu.memory_space<vmem>>
        %dma_wait3A_265 = arith.constant 0 : i32
        %dma_wait3A_266 = tpu.memref_slice %arg7[%scan3A_231, %dma_wait3A_265] : memref<40x128xi32, #tpu.memory_space<vmem>> -> memref<1x128xi32, #tpu.memory_space<vmem>>
        %dma_wait3A_267 = tpu.memref_squeeze %dma_wait3A_266 : memref<1x128xi32, #tpu.memory_space<vmem>> -> memref<128xi32, #tpu.memory_space<vmem>>
        %dma_wait3A_268 = arith.constant 0 : i32
        %dma_wait3A_269 = arith.constant 0 : i32
        %dma_wait3A_270 = tpu.memref_slice %arg9[%dma_wait3A_268, %dma_wait3A_269] : memref<10112x128xf32, #tpu.memory_space<vmem_shared>> -> memref<10112x128xf32, #tpu.memory_space<vmem_shared>>
        tpu.wait_indirect_dma semaphore(%run_scoped3A : memref<!tpu.dma_semaphore, #tpu.memory_space<semaphore_mem>>) src(%dma_wait3A_264 : memref<128x128xf32, #tpu.memory_space<vmem>>) dst(%dma_wait3A_270 : memref<10112x128xf32, #tpu.memory_space<vmem_shared>>)
        tpu.yield
      }) : () -> ()
    }
    %scan3A_229 = arith.constant 39 : i32
    %barrier3A_230 = arith.constant 0 : index
    tpu.barrier barrier_id(%barrier3A_230)
    "tpu.region"() ({
      %run_scoped3A = tpu.sem_alloc : memref<!tpu.dma_semaphore, #tpu.memory_space<semaphore_mem>>
      %dma_start3A_231 = arith.constant 0 : i32
      %dma_start3A_232 = tpu.memref_slice %arg5[%arg0, %mul3A_21, %dma_start3A_231] : memref<2x10112x128xf32, #tpu.memory_space<hbm>> -> memref<1x632x128xf32, #tpu.memory_space<hbm>>
      %dma_start3A_233 = tpu.memref_squeeze %dma_start3A_232 : memref<1x632x128xf32, #tpu.memory_space<hbm>> -> memref<632x128xf32, #tpu.memory_space<hbm>>
      %dma_start3A_234 = arith.constant 0 : i32
      %dma_start3A_235 = tpu.memref_slice %arg9[%mul3A_21, %dma_start3A_234] : memref<10112x128xf32, #tpu.memory_space<vmem_shared>> -> memref<632x128xf32, #tpu.memory_space<vmem_shared>>
      tpu.enqueue_dma source(%dma_start3A_235 : memref<632x128xf32, #tpu.memory_space<vmem_shared>>) target(%dma_start3A_233 : memref<632x128xf32, #tpu.memory_space<hbm>>) target_semaphore(%run_scoped3A : memref<!tpu.dma_semaphore, #tpu.memory_space<semaphore_mem>>)
      %dma_wait3A_236 = arith.constant 0 : i32
      %dma_wait3A_237 = tpu.memref_slice %arg5[%arg0, %mul3A_21, %dma_wait3A_236] : memref<2x10112x128xf32, #tpu.memory_space<hbm>> -> memref<1x632x128xf32, #tpu.memory_space<hbm>>
      %dma_wait3A_238 = tpu.memref_squeeze %dma_wait3A_237 : memref<1x632x128xf32, #tpu.memory_space<hbm>> -> memref<632x128xf32, #tpu.memory_space<hbm>>
      %dma_wait3A_239 = arith.constant 0 : i32
      %dma_wait3A_240 = tpu.memref_slice %arg9[%mul3A_21, %dma_wait3A_239] : memref<10112x128xf32, #tpu.memory_space<vmem_shared>> -> memref<632x128xf32, #tpu.memory_space<vmem_shared>>
      tpu.wait_dma2 semaphore(%run_scoped3A : memref<!tpu.dma_semaphore, #tpu.memory_space<semaphore_mem>>) src(%dma_wait3A_240 : memref<632x128xf32, #tpu.memory_space<vmem_shared>>) dst(%dma_wait3A_238 : memref<632x128xf32, #tpu.memory_space<hbm>>)
      tpu.yield
    }) : () -> ()
    return
  }
}

module attributes {stable_mosaic.version = 14 : i64} {
  func.func @_k1_body(%arg0: i32, %arg1: memref<5000x256xf32, #tpu.memory_space<vmem>>, %arg2: memref<256x256xf32, #tpu.memory_space<vmem>>, %arg3: memref<1x256xf32, #tpu.memory_space<vmem>>, %arg4: memref<5000x256xf32, #tpu.memory_space<vmem>>, %arg5: memref<2x256xf32, #tpu.memory_space<vmem>>, %arg6: memref<2x256xf32, #tpu.memory_space<vmem>>) attributes {dimension_semantics = [#tpu.dimension_semantics<arbitrary>], iteration_bounds = array<i64: 2>, scalar_prefetch = 0 : i64, scratch_operands = 1 : i64, tpu.core_type = #tpu.core_type<tc>, window_params = [{transform_indices = @transform_0, window_bounds = array<i64: 5000, 256>}, {pipeline_mode = #tpu.pipeline_mode<synchronous>, transform_indices = @transform_1, window_bounds = array<i64: 256, 256>}, {pipeline_mode = #tpu.pipeline_mode<synchronous>, transform_indices = @transform_2, window_bounds = array<i64: 1, 256>}, {transform_indices = @transform_3, window_bounds = array<i64: 5000, 256>}, {pipeline_mode = #tpu.pipeline_mode<synchronous>, transform_indices = @transform_4, window_bounds = array<i64: 2, 256>}]} {
    %get3A = arith.constant 0 : index
    %get3A_0 = arith.constant 0 : index
    %get3A_1 = vector.load %arg1[%get3A, %get3A_0] : memref<5000x256xf32, #tpu.memory_space<vmem>>, vector<5000x256xf32>
    %get3A_2 = arith.constant 0 : index
    %get3A_3 = arith.constant 0 : index
    %get3A_4 = vector.load %arg2[%get3A_2, %get3A_3] : memref<256x256xf32, #tpu.memory_space<vmem>>, vector<256x256xf32>
    %dot_general3A = arith.constant dense<0.000000e+00> : vector<5000x256xf32>
    %dot_general3A_5 = tpu.matmul %get3A_1, %get3A_4, %dot_general3A {dimension_numbers = #tpu.dot_dimension_numbers<[1], [0], [0], [1], [0, 0, 1, 1], [], []>, transpose_lhs_hint = false} : vector<5000x256xf32>, vector<256x256xf32>, vector<5000x256xf32> -> vector<5000x256xf32>
    %get3A_6 = arith.constant 0 : index
    %get3A_7 = arith.constant 0 : index
    %get3A_8 = vector.load %arg3[%get3A_6, %get3A_7] : memref<1x256xf32, #tpu.memory_space<vmem>>, vector<1x256xf32>
    %add3A = vector.broadcast %get3A_8 : vector<1x256xf32> to vector<5000x256xf32>
    %add3A_9 = arith.addf %dot_general3A_5, %add3A : vector<5000x256xf32>
    %swap3A = arith.constant 0 : index
    %swap3A_10 = arith.constant 0 : index
    %swap3A_11 = vector.load %arg4[%swap3A, %swap3A_10] : memref<5000x256xf32, #tpu.memory_space<vmem>>, vector<5000x256xf32>
    tpu.vector_store %arg4[%swap3A, %swap3A_10], %add3A_9 {strides = array<i32>} : memref<5000x256xf32, #tpu.memory_space<vmem>>, vector<5000x256xf32>,
    %eq3A = arith.constant 0 : i32
    %eq3A_12 = arith.cmpi eq, %arg0, %eq3A : i32
    %convert_element_type3A = arith.extui %eq3A_12 : i1 to i32
    %cond3A = arith.constant 0 : i32
    %cond3A_13 = arith.cmpi ne, %convert_element_type3A, %cond3A : i32
    scf.if %cond3A_13 {
      %broadcast_in_dim3A_37 = arith.constant 0.000000e+00 : f32
      %broadcast_in_dim3A_38 = vector.broadcast %broadcast_in_dim3A_37 : f32 to vector<2x256xf32>
      %swap3A_39 = arith.constant 0 : index
      %swap3A_40 = arith.constant 0 : index
      %swap3A_41 = vector.load %arg6[%swap3A_39, %swap3A_40] : memref<2x256xf32, #tpu.memory_space<vmem>>, vector<2x256xf32>
      tpu.vector_store %arg6[%swap3A_39, %swap3A_40], %broadcast_in_dim3A_38 {strides = array<i32>} : memref<2x256xf32, #tpu.memory_space<vmem>>, vector<2x256xf32>,
    } else {
    }
    %get3A_14 = arith.constant 0 : index
    %get3A_15 = arith.constant 0 : index
    %get3A_16 = vector.load %arg6[%get3A_14, %get3A_15] : memref<2x256xf32, #tpu.memory_space<vmem>>, vector<1x256xf32>
    %reduce_sum3A = arith.constant dense<0.000000e+00> : vector<256xf32>
    %reduce_sum3A_17 = vector.multi_reduction <add>, %add3A_9, %reduce_sum3A [0] : vector<5000x256xf32> to vector<256xf32>
    %broadcast_in_dim3A = vector.shape_cast %reduce_sum3A_17 : vector<256xf32> to vector<1x256xf32>
    %add3A_18 = arith.addf %get3A_16, %broadcast_in_dim3A : vector<1x256xf32>
    %swap3A_19 = arith.constant 0 : index
    %swap3A_20 = arith.constant 0 : index
    %swap3A_21 = vector.load %arg6[%swap3A_19, %swap3A_20] : memref<2x256xf32, #tpu.memory_space<vmem>>, vector<1x256xf32>
    tpu.vector_store %arg6[%swap3A_19, %swap3A_20], %add3A_18 {strides = array<i32>} : memref<2x256xf32, #tpu.memory_space<vmem>>, vector<1x256xf32>,
    %get3A_22 = arith.constant 1 : index
    %get3A_23 = arith.constant 0 : index
    %get3A_24 = vector.load %arg6[%get3A_22, %get3A_23] : memref<2x256xf32, #tpu.memory_space<vmem>>, vector<1x256xf32>
    %mul3A = arith.mulf %add3A_9, %add3A_9 : vector<5000x256xf32>
    %reduce_sum3A_25 = arith.constant dense<0.000000e+00> : vector<256xf32>
    %reduce_sum3A_26 = vector.multi_reduction <add>, %mul3A, %reduce_sum3A_25 [0] : vector<5000x256xf32> to vector<256xf32>
    %broadcast_in_dim3A_27 = vector.shape_cast %reduce_sum3A_26 : vector<256xf32> to vector<1x256xf32>
    %add3A_28 = arith.addf %get3A_24, %broadcast_in_dim3A_27 : vector<1x256xf32>
    %swap3A_29 = arith.constant 1 : index
    %swap3A_30 = arith.constant 0 : index
    %swap3A_31 = vector.load %arg6[%swap3A_29, %swap3A_30] : memref<2x256xf32, #tpu.memory_space<vmem>>, vector<1x256xf32>
    tpu.vector_store %arg6[%swap3A_29, %swap3A_30], %add3A_28 {strides = array<i32>} : memref<2x256xf32, #tpu.memory_space<vmem>>, vector<1x256xf32>,
    %eq3A_32 = arith.constant 1 : i32
    %eq3A_33 = arith.cmpi eq, %arg0, %eq3A_32 : i32
    %convert_element_type3A_34 = arith.extui %eq3A_33 : i1 to i32
    %cond3A_35 = arith.constant 0 : i32
    %cond3A_36 = arith.cmpi ne, %convert_element_type3A_34, %cond3A_35 : i32
    scf.if %cond3A_36 {
      %get3A_37 = arith.constant 0 : index
      %get3A_38 = arith.constant 0 : index
      %get3A_39 = vector.load %arg6[%get3A_37, %get3A_38] : memref<2x256xf32, #tpu.memory_space<vmem>>, vector<2x256xf32>
      %swap3A_40 = arith.constant 0 : index
      %swap3A_41 = arith.constant 0 : index
      %swap3A_42 = vector.load %arg5[%swap3A_40, %swap3A_41] : memref<2x256xf32, #tpu.memory_space<vmem>>, vector<2x256xf32>
      tpu.vector_store %arg5[%swap3A_40, %swap3A_41], %get3A_39 {strides = array<i32>} : memref<2x256xf32, #tpu.memory_space<vmem>>, vector<2x256xf32>,
    } else {
    }
    return
  }
  func.func @transform_0(%arg0: i32) -> (i32, i32) {
    %c0_i32 = arith.constant 0 : i32
    %c0_i32_0 = arith.constant 0 : i32
    return %arg0, %c0_i32 : i32, i32
  }
  func.func @transform_1(%arg0: i32) -> (i32, i32) {
    %c0_i32 = arith.constant 0 : i32
    %c0_i32_0 = arith.constant 0 : i32
    %c0_i32_1 = arith.constant 0 : i32
    return %c0_i32, %c0_i32_0 : i32, i32
  }
  func.func @transform_2(%arg0: i32) -> (i32, i32) {
    %c0_i32 = arith.constant 0 : i32
    %c0_i32_0 = arith.constant 0 : i32
    %c0_i32_1 = arith.constant 0 : i32
    return %c0_i32, %c0_i32_0 : i32, i32
  }
  func.func @transform_3(%arg0: i32) -> (i32, i32) {
    %c0_i32 = arith.constant 0 : i32
    %c0_i32_0 = arith.constant 0 : i32
    return %arg0, %c0_i32 : i32, i32
  }
  func.func @transform_4(%arg0: i32) -> (i32, i32) {
    %c0_i32 = arith.constant 0 : i32
    %c0_i32_0 = arith.constant 0 : i32
    %c0_i32_1 = arith.constant 0 : i32
    return %c0_i32, %c0_i32_0 : i32, i32
  }
}

module attributes {stable_mosaic.version = 14 : i64} {
  func.func @_k2_body(%arg0: i32, %arg1: memref<5000x256xf32, #tpu.memory_space<vmem>>, %arg2: memref<2x256xf32, #tpu.memory_space<vmem>>, %arg3: memref<1x256xf32, #tpu.memory_space<vmem>>, %arg4: memref<1x256xf32, #tpu.memory_space<vmem>>, %arg5: memref<256x256xf32, #tpu.memory_space<vmem>>, %arg6: memref<256x256xf32, #tpu.memory_space<vmem>>, %arg7: memref<1x256xf32, #tpu.memory_space<vmem>>, %arg8: memref<2x5000x1xf32, #tpu.memory_space<vmem>>, %arg9: memref<2x5000x128xf32, #tpu.memory_space<vmem>>, %arg10: memref<5000x1xf32, #tpu.memory_space<vmem>>, %arg11: memref<256x256xf32, #tpu.memory_space<vmem>>) attributes {dimension_semantics = [#tpu.dimension_semantics<arbitrary>], iteration_bounds = array<i64: 2>, scalar_prefetch = 0 : i64, scratch_operands = 1 : i64, tpu.core_type = #tpu.core_type<tc>, window_params = [{transform_indices = @transform_0, window_bounds = array<i64: 5000, 256>}, {pipeline_mode = #tpu.pipeline_mode<synchronous>, transform_indices = @transform_1, window_bounds = array<i64: 2, 256>}, {pipeline_mode = #tpu.pipeline_mode<synchronous>, transform_indices = @transform_2, window_bounds = array<i64: 1, 256>}, {pipeline_mode = #tpu.pipeline_mode<synchronous>, transform_indices = @transform_3, window_bounds = array<i64: 1, 256>}, {pipeline_mode = #tpu.pipeline_mode<synchronous>, transform_indices = @transform_4, window_bounds = array<i64: 256, 256>}, {pipeline_mode = #tpu.pipeline_mode<synchronous>, transform_indices = @transform_5, window_bounds = array<i64: 256, 256>}, {pipeline_mode = #tpu.pipeline_mode<synchronous>, transform_indices = @transform_6, window_bounds = array<i64: 1, 256>}, {transform_indices = @transform_7, window_bounds = array<i64: 2, 5000, 1>}, {transform_indices = @transform_8, window_bounds = array<i64: 2, 5000, 128>}, {transform_indices = @transform_9, window_bounds = array<i64: 5000, 1>}]} {
    %eq3A = arith.constant 0 : i32
    %eq3A_0 = arith.cmpi eq, %arg0, %eq3A : i32
    %convert_element_type3A = arith.extui %eq3A_0 : i1 to i32
    %cond3A = arith.constant 0 : i32
    %cond3A_1 = arith.cmpi ne, %convert_element_type3A, %cond3A : i32
    scf.if %cond3A_1 {
      %get3A_79 = arith.constant 0 : index
      %get3A_80 = arith.constant 0 : index
      %get3A_81 = vector.load %arg5[%get3A_79, %get3A_80] : memref<256x256xf32, #tpu.memory_space<vmem>>, vector<256x256xf32>
      %get3A_82 = arith.constant 0 : index
      %get3A_83 = arith.constant 0 : index
      %get3A_84 = vector.load %arg6[%get3A_82, %get3A_83] : memref<256x256xf32, #tpu.memory_space<vmem>>, vector<256x256xf32>
      %dot_general3A_85 = arith.constant dense<0.000000e+00> : vector<256x256xf32>
      %dot_general3A_86 = tpu.matmul %get3A_81, %get3A_84, %dot_general3A_85 {dimension_numbers = #tpu.dot_dimension_numbers<[1], [0], [0], [1], [0, 0, 1, 1], [], []>, transpose_lhs_hint = false} : vector<256x256xf32>, vector<256x256xf32>, vector<256x256xf32> -> vector<256x256xf32>
      %swap3A_87 = arith.constant 0 : index
      %swap3A_88 = arith.constant 0 : index
      %swap3A_89 = vector.load %arg11[%swap3A_87, %swap3A_88] : memref<256x256xf32, #tpu.memory_space<vmem>>, vector<256x256xf32>
      tpu.vector_store %arg11[%swap3A_87, %swap3A_88], %dot_general3A_86 {strides = array<i32>} : memref<256x256xf32, #tpu.memory_space<vmem>>, vector<256x256xf32>,
    } else {
    }
    %get3A = arith.constant 0 : index
    %get3A_2 = arith.constant 0 : index
    %get3A_3 = vector.load %arg2[%get3A, %get3A_2] : memref<2x256xf32, #tpu.memory_space<vmem>>, vector<1x256xf32>
    %mul3A = arith.constant 9.99999974E-5 : f32
    %mul3A_4 = vector.broadcast %mul3A : f32 to vector<1x256xf32>
    %mul3A_5 = arith.mulf %get3A_3, %mul3A_4 : vector<1x256xf32>
    %get3A_6 = arith.constant 1 : index
    %get3A_7 = arith.constant 0 : index
    %get3A_8 = vector.load %arg2[%get3A_6, %get3A_7] : memref<2x256xf32, #tpu.memory_space<vmem>>, vector<1x256xf32>
    %mul3A_9 = arith.constant 9.99999974E-5 : f32
    %mul3A_10 = vector.broadcast %mul3A_9 : f32 to vector<1x256xf32>
    %mul3A_11 = arith.mulf %get3A_8, %mul3A_10 : vector<1x256xf32>
    %mul3A_12 = arith.mulf %mul3A_5, %mul3A_5 : vector<1x256xf32>
    %sub3A = arith.subf %mul3A_11, %mul3A_12 : vector<1x256xf32>
    %get3A_13 = arith.constant 0 : index
    %get3A_14 = arith.constant 0 : index
    %get3A_15 = vector.load %arg3[%get3A_13, %get3A_14] : memref<1x256xf32, #tpu.memory_space<vmem>>, vector<1x256xf32>
    %add3A = arith.constant 9.99999974E-6 : f32
    %add3A_16 = vector.broadcast %add3A : f32 to vector<1x256xf32>
    %add3A_17 = arith.addf %sub3A, %add3A_16 : vector<1x256xf32>
    %rsqrt3A = math.rsqrt %add3A_17 : vector<1x256xf32>
    %mul3A_18 = arith.mulf %get3A_15, %rsqrt3A : vector<1x256xf32>
    %get3A_19 = arith.constant 0 : index
    %get3A_20 = arith.constant 0 : index
    %get3A_21 = vector.load %arg4[%get3A_19, %get3A_20] : memref<1x256xf32, #tpu.memory_space<vmem>>, vector<1x256xf32>
    %mul3A_22 = arith.mulf %mul3A_5, %mul3A_18 : vector<1x256xf32>
    %sub3A_23 = arith.subf %get3A_21, %mul3A_22 : vector<1x256xf32>
    %get3A_24 = arith.constant 0 : index
    %get3A_25 = arith.constant 0 : index
    %get3A_26 = vector.load %arg1[%get3A_24, %get3A_25] : memref<5000x256xf32, #tpu.memory_space<vmem>>, vector<5000x256xf32>
    %mul3A_27 = vector.broadcast %mul3A_18 : vector<1x256xf32> to vector<5000x256xf32>
    %mul3A_28 = arith.mulf %get3A_26, %mul3A_27 : vector<5000x256xf32>
    %add3A_29 = vector.broadcast %sub3A_23 : vector<1x256xf32> to vector<5000x256xf32>
    %add3A_30 = arith.addf %mul3A_28, %add3A_29 : vector<5000x256xf32>
    %max3A = arith.constant 0.000000e+00 : f32
    %max3A_31 = vector.broadcast %max3A : f32 to vector<5000x256xf32>
    %max3A_32 = arith.maximumf %add3A_30, %max3A_31 : vector<5000x256xf32>
    %get3A_33 = arith.constant 0 : index
    %get3A_34 = arith.constant 0 : index
    %get3A_35 = vector.load %arg7[%get3A_33, %get3A_34] : memref<1x256xf32, #tpu.memory_space<vmem>>, vector<1x256xf32>
    %get3A_36 = arith.constant 0 : index
    %get3A_37 = arith.constant 0 : index
    %get3A_38 = vector.load %arg6[%get3A_36, %get3A_37] : memref<256x256xf32, #tpu.memory_space<vmem>>, vector<256x256xf32>
    %dot_general3A = arith.constant dense<0.000000e+00> : vector<1x256xf32>
    %dot_general3A_39 = tpu.matmul %get3A_35, %get3A_38, %dot_general3A {dimension_numbers = #tpu.dot_dimension_numbers<[1], [0], [0], [1], [0, 0, 1, 1], [], []>, transpose_lhs_hint = false} : vector<1x256xf32>, vector<256x256xf32>, vector<1x256xf32> -> vector<1x256xf32>
    %get3A_40 = arith.constant 0 : index
    %get3A_41 = arith.constant 0 : index
    %get3A_42 = vector.load %arg11[%get3A_40, %get3A_41] : memref<256x256xf32, #tpu.memory_space<vmem>>, vector<256x256xf32>
    %dot_general3A_43 = arith.constant dense<0.000000e+00> : vector<5000x256xf32>
    %dot_general3A_44 = tpu.matmul %max3A_32, %get3A_42, %dot_general3A_43 {dimension_numbers = #tpu.dot_dimension_numbers<[1], [0], [0], [1], [0, 0, 1, 1], [], []>, transpose_lhs_hint = false} : vector<5000x256xf32>, vector<256x256xf32>, vector<5000x256xf32> -> vector<5000x256xf32>
    %add3A_45 = vector.broadcast %dot_general3A_39 : vector<1x256xf32> to vector<5000x256xf32>
    %add3A_46 = arith.addf %dot_general3A_44, %add3A_45 : vector<5000x256xf32>
    %get3A_47 = arith.constant 0 : index
    %get3A_48 = arith.constant 0 : index
    %get3A_49 = arith.constant 0 : index
    %get3A_50 = vector.load %arg8[%get3A_47, %get3A_48, %get3A_49] : memref<2x5000x1xf32, #tpu.memory_space<vmem>>, vector<1x5000x1xf32>
    %get3A_51 = vector.shape_cast %get3A_50 : vector<1x5000x1xf32> to vector<5000x1xf32>
    %get3A_52 = arith.constant 1 : index
    %get3A_53 = arith.constant 0 : index
    %get3A_54 = arith.constant 0 : index
    %get3A_55 = vector.load %arg8[%get3A_52, %get3A_53, %get3A_54] : memref<2x5000x1xf32, #tpu.memory_space<vmem>>, vector<1x5000x1xf32>
    %get3A_56 = vector.shape_cast %get3A_55 : vector<1x5000x1xf32> to vector<5000x1xf32>
    %add3A_57 = arith.addf %get3A_51, %get3A_56 : vector<5000x1xf32>
    %add3A_58 = arith.constant 1.000000e+00 : f32
    %add3A_59 = vector.broadcast %add3A_58 : f32 to vector<5000x1xf32>
    %add3A_60 = arith.addf %add3A_57, %add3A_59 : vector<5000x1xf32>
    %rsqrt3A_61 = math.rsqrt %add3A_60 : vector<5000x1xf32>
    %mul3A_62 = vector.broadcast %rsqrt3A_61 : vector<5000x1xf32> to vector<5000x256xf32>
    %mul3A_63 = arith.mulf %add3A_46, %mul3A_62 : vector<5000x256xf32>
    %slice3A = vector.extract_strided_slice %mul3A_63 {offsets = [0, 0], sizes = [5000, 128], strides = [1, 1]} : vector<5000x256xf32> to vector<5000x128xf32>
    %swap3A = arith.constant 0 : index
    %swap3A_64 = arith.constant 0 : index
    %swap3A_65 = arith.constant 0 : index
    %swap3A_66 = vector.load %arg9[%swap3A, %swap3A_64, %swap3A_65] : memref<2x5000x128xf32, #tpu.memory_space<vmem>>, vector<1x5000x128xf32>
    %swap3A_67 = vector.shape_cast %swap3A_66 : vector<1x5000x128xf32> to vector<5000x128xf32>
    %swap3A_68 = vector.shape_cast %slice3A : vector<5000x128xf32> to vector<1x5000x128xf32>
    tpu.vector_store %arg9[%swap3A, %swap3A_64, %swap3A_65], %swap3A_68 {strides = array<i32>} : memref<2x5000x128xf32, #tpu.memory_space<vmem>>, vector<1x5000x128xf32>,
    %slice3A_69 = vector.extract_strided_slice %mul3A_63 {offsets = [0, 128], sizes = [5000, 128], strides = [1, 1]} : vector<5000x256xf32> to vector<5000x128xf32>
    %swap3A_70 = arith.constant 1 : index
    %swap3A_71 = arith.constant 0 : index
    %swap3A_72 = arith.constant 0 : index
    %swap3A_73 = vector.load %arg9[%swap3A_70, %swap3A_71, %swap3A_72] : memref<2x5000x128xf32, #tpu.memory_space<vmem>>, vector<1x5000x128xf32>
    %swap3A_74 = vector.shape_cast %swap3A_73 : vector<1x5000x128xf32> to vector<5000x128xf32>
    %swap3A_75 = vector.shape_cast %slice3A_69 : vector<5000x128xf32> to vector<1x5000x128xf32>
    tpu.vector_store %arg9[%swap3A_70, %swap3A_71, %swap3A_72], %swap3A_75 {strides = array<i32>} : memref<2x5000x128xf32, #tpu.memory_space<vmem>>, vector<1x5000x128xf32>,
    %swap3A_76 = arith.constant 0 : index
    %swap3A_77 = arith.constant 0 : index
    %swap3A_78 = vector.load %arg10[%swap3A_76, %swap3A_77] : memref<5000x1xf32, #tpu.memory_space<vmem>>, vector<5000x1xf32>
    tpu.vector_store %arg10[%swap3A_76, %swap3A_77], %rsqrt3A_61 {strides = array<i32>} : memref<5000x1xf32, #tpu.memory_space<vmem>>, vector<5000x1xf32>,
    return
  }
  func.func @transform_0(%arg0: i32) -> (i32, i32) {
    %c0_i32 = arith.constant 0 : i32
    %c0_i32_0 = arith.constant 0 : i32
    return %arg0, %c0_i32 : i32, i32
  }
  func.func @transform_1(%arg0: i32) -> (i32, i32) {
    %c0_i32 = arith.constant 0 : i32
    %c0_i32_0 = arith.constant 0 : i32
    %c0_i32_1 = arith.constant 0 : i32
    return %c0_i32, %c0_i32_0 : i32, i32
  }
  func.func @transform_2(%arg0: i32) -> (i32, i32) {
    %c0_i32 = arith.constant 0 : i32
    %c0_i32_0 = arith.constant 0 : i32
    %c0_i32_1 = arith.constant 0 : i32
    return %c0_i32, %c0_i32_0 : i32, i32
  }
  func.func @transform_3(%arg0: i32) -> (i32, i32) {
    %c0_i32 = arith.constant 0 : i32
    %c0_i32_0 = arith.constant 0 : i32
    %c0_i32_1 = arith.constant 0 : i32
    return %c0_i32, %c0_i32_0 : i32, i32
  }
  func.func @transform_4(%arg0: i32) -> (i32, i32) {
    %c0_i32 = arith.constant 0 : i32
    %c0_i32_0 = arith.constant 0 : i32
    %c0_i32_1 = arith.constant 0 : i32
    return %c0_i32, %c0_i32_0 : i32, i32
  }
  func.func @transform_5(%arg0: i32) -> (i32, i32) {
    %c0_i32 = arith.constant 0 : i32
    %c0_i32_0 = arith.constant 0 : i32
    %c0_i32_1 = arith.constant 0 : i32
    return %c0_i32, %c0_i32_0 : i32, i32
  }
  func.func @transform_6(%arg0: i32) -> (i32, i32) {
    %c0_i32 = arith.constant 0 : i32
    %c0_i32_0 = arith.constant 0 : i32
    %c0_i32_1 = arith.constant 0 : i32
    return %c0_i32, %c0_i32_0 : i32, i32
  }
  func.func @transform_7(%arg0: i32) -> (i32, i32, i32) {
    %c0_i32 = arith.constant 0 : i32
    %c0_i32_0 = arith.constant 0 : i32
    %c0_i32_1 = arith.constant 0 : i32
    return %c0_i32, %arg0, %c0_i32_0 : i32, i32, i32
  }
  func.func @transform_8(%arg0: i32) -> (i32, i32, i32) {
    %c0_i32 = arith.constant 0 : i32
    %c0_i32_0 = arith.constant 0 : i32
    %c0_i32_1 = arith.constant 0 : i32
    return %c0_i32, %arg0, %c0_i32_0 : i32, i32, i32
  }
  func.func @transform_9(%arg0: i32) -> (i32, i32) {
    %c0_i32 = arith.constant 0 : i32
    %c0_i32_0 = arith.constant 0 : i32
    return %arg0, %c0_i32 : i32, i32
  }
}

module attributes {stable_mosaic.version = 14 : i64} {
  func.func @_k3_body(%arg0: i32, %arg1: memref<2x5000x128xf32, #tpu.memory_space<vmem>>, %arg2: memref<2x5000x128xf32, #tpu.memory_space<vmem>>, %arg3: memref<5000x1xf32, #tpu.memory_space<vmem>>, %arg4: memref<1x256xf32, #tpu.memory_space<vmem>>, %arg5: memref<5000x256xf32, #tpu.memory_space<vmem>>) attributes {dimension_semantics = [#tpu.dimension_semantics<arbitrary>], iteration_bounds = array<i64: 2>, scalar_prefetch = 0 : i64, scratch_operands = 0 : i64, tpu.core_type = #tpu.core_type<tc>, window_params = [{transform_indices = @transform_0, window_bounds = array<i64: 2, 5000, 128>}, {transform_indices = @transform_1, window_bounds = array<i64: 2, 5000, 128>}, {transform_indices = @transform_2, window_bounds = array<i64: 5000, 1>}, {pipeline_mode = #tpu.pipeline_mode<synchronous>, transform_indices = @transform_3, window_bounds = array<i64: 1, 256>}, {transform_indices = @transform_4, window_bounds = array<i64: 5000, 256>}]} {
    %get3A = arith.constant 0 : index
    %get3A_0 = arith.constant 0 : index
    %get3A_1 = vector.load %arg3[%get3A, %get3A_0] : memref<5000x1xf32, #tpu.memory_space<vmem>>, vector<5000x1xf32>
    %get3A_2 = arith.constant 0 : index
    %get3A_3 = arith.constant 0 : index
    %get3A_4 = arith.constant 0 : index
    %get3A_5 = vector.load %arg1[%get3A_2, %get3A_3, %get3A_4] : memref<2x5000x128xf32, #tpu.memory_space<vmem>>, vector<1x5000x128xf32>
    %get3A_6 = vector.shape_cast %get3A_5 : vector<1x5000x128xf32> to vector<5000x128xf32>
    %get3A_7 = arith.constant 0 : index
    %get3A_8 = arith.constant 0 : index
    %get3A_9 = arith.constant 0 : index
    %get3A_10 = vector.load %arg2[%get3A_7, %get3A_8, %get3A_9] : memref<2x5000x128xf32, #tpu.memory_space<vmem>>, vector<1x5000x128xf32>
    %get3A_11 = vector.shape_cast %get3A_10 : vector<1x5000x128xf32> to vector<5000x128xf32>
    %add3A = arith.addf %get3A_6, %get3A_11 : vector<5000x128xf32>
    %mul3A = vector.broadcast %get3A_1 : vector<5000x1xf32> to vector<5000x128xf32>
    %mul3A_12 = arith.mulf %add3A, %mul3A : vector<5000x128xf32>
    %get3A_13 = arith.constant 1 : index
    %get3A_14 = arith.constant 0 : index
    %get3A_15 = arith.constant 0 : index
    %get3A_16 = vector.load %arg1[%get3A_13, %get3A_14, %get3A_15] : memref<2x5000x128xf32, #tpu.memory_space<vmem>>, vector<1x5000x128xf32>
    %get3A_17 = vector.shape_cast %get3A_16 : vector<1x5000x128xf32> to vector<5000x128xf32>
    %get3A_18 = arith.constant 1 : index
    %get3A_19 = arith.constant 0 : index
    %get3A_20 = arith.constant 0 : index
    %get3A_21 = vector.load %arg2[%get3A_18, %get3A_19, %get3A_20] : memref<2x5000x128xf32, #tpu.memory_space<vmem>>, vector<1x5000x128xf32>
    %get3A_22 = vector.shape_cast %get3A_21 : vector<1x5000x128xf32> to vector<5000x128xf32>
    %add3A_23 = arith.addf %get3A_17, %get3A_22 : vector<5000x128xf32>
    %mul3A_24 = vector.broadcast %get3A_1 : vector<5000x1xf32> to vector<5000x128xf32>
    %mul3A_25 = arith.mulf %add3A_23, %mul3A_24 : vector<5000x128xf32>
    %concatenate3A = tpu.concatenate %mul3A_12, %mul3A_25 in 1 : vector<5000x128xf32>, vector<5000x128xf32> -> vector<5000x256xf32>
    %get3A_26 = arith.constant 0 : index
    %get3A_27 = arith.constant 0 : index
    %get3A_28 = vector.load %arg4[%get3A_26, %get3A_27] : memref<1x256xf32, #tpu.memory_space<vmem>>, vector<1x256xf32>
    %add3A_29 = vector.broadcast %get3A_28 : vector<1x256xf32> to vector<5000x256xf32>
    %add3A_30 = arith.addf %concatenate3A, %add3A_29 : vector<5000x256xf32>
    %swap3A = arith.constant 0 : index
    %swap3A_31 = arith.constant 0 : index
    %swap3A_32 = vector.load %arg5[%swap3A, %swap3A_31] : memref<5000x256xf32, #tpu.memory_space<vmem>>, vector<5000x256xf32>
    tpu.vector_store %arg5[%swap3A, %swap3A_31], %add3A_30 {strides = array<i32>} : memref<5000x256xf32, #tpu.memory_space<vmem>>, vector<5000x256xf32>,
    return
  }
  func.func @transform_0(%arg0: i32) -> (i32, i32, i32) {
    %c0_i32 = arith.constant 0 : i32
    %c0_i32_0 = arith.constant 0 : i32
    %c0_i32_1 = arith.constant 0 : i32
    return %c0_i32, %arg0, %c0_i32_0 : i32, i32, i32
  }
  func.func @transform_1(%arg0: i32) -> (i32, i32, i32) {
    %c0_i32 = arith.constant 0 : i32
    %c0_i32_0 = arith.constant 0 : i32
    %c0_i32_1 = arith.constant 0 : i32
    return %c0_i32, %arg0, %c0_i32_0 : i32, i32, i32
  }
  func.func @transform_2(%arg0: i32) -> (i32, i32) {
    %c0_i32 = arith.constant 0 : i32
    %c0_i32_0 = arith.constant 0 : i32
    return %arg0, %c0_i32 : i32, i32
  }
  func.func @transform_3(%arg0: i32) -> (i32, i32) {
    %c0_i32 = arith.constant 0 : i32
    %c0_i32_0 = arith.constant 0 : i32
    %c0_i32_1 = arith.constant 0 : i32
    return %c0_i32, %c0_i32_0 : i32, i32
  }
  func.func @transform_4(%arg0: i32) -> (i32, i32) {
    %c0_i32 = arith.constant 0 : i32
    %c0_i32_0 = arith.constant 0 : i32
    return %arg0, %c0_i32 : i32, i32
  }
}

</mosaic_0001>

<sc_bundles>
// kernel: kernel.10.cloned.1.call-start
scs
__scs_entry_jumppad:
0x0: {  	(pc) =	sbr.rel $0x88, $3  }
0x1: {  	(tag) =	ssettag $0x0;
	lr =	simm.s32 $0x1  }
0x2: {  	[smem:$0x3F97] =	sst lr;
	_ =	strace $0xD0000000  }
0x3: {  	_ = 	snop  }
0x4: {  	_ = 	snop  }
0x5: {  	_ = 	snop  }
0x6: {  	_ = 	snop  }
0x7: {  	_ = 	snop  }
__scs_overlays_trampoline_lowered:
0x8: {  	[smem:$0x3FA6] =	sst s0  }
0x9: {  	[smem:$0x3FA7] =	sst s1  }
0xa: {  	[smem:$0x3FA8] =	sst s2  }
0xb: {  	[smem:$0x3FA9] =	sst s3  }
0xc: {  	[smem:$0x3FAA] =	sst s4  }
0xd: {  	[smem:$0x3FAB] =	sst s5  }
0xe: {  	[smem:$0x3FAC] =	sst s6  }
0xf: {  	[smem:$0x3FAD] =	sst s7  }
0x10: {  	[smem:$0x3FAE] =	sst s8  }
0x11: {  	[smem:$0x3FAF] =	sst s9;
	s0 =	simm.s32 @!p0 $0x0  }
0x12: {  	s1 =	sld [smem:$0x3F95];
	s0 =	simm.s32 @p0 $0x1  }
0x13: {  	[smem:$0x3FB0] =	sst s0;
	s0 =	simm.s32 @!p1 $0x0  }
0x14: {  	s2 =	sld [smem:$0x3F94];
	s0 =	simm.s32 @p1 $0x1  }
0x15: {  	[smem:$0x3FB1] =	sst s0;
	s0 =	simm.s32 @!p2 $0x0  }
0x16: {  	s3 =	sld [smem:$0x3FDB];
	s0 =	simm.s32 @p2 $0x1  }
0x17: {  	s4 =	simm.s32 $0x1BF5;
	[smem:$0x3FB3] =	sst s0  }
0x18: {  	s0 =	sld [smem:$0x3F96];
	_ =	swait.ge [sflag:s4], $0x0  }
0x19: {  	s7 =	sld [smem:$0x3F97]  }
0x1a: {  	s8 =	sadd.s32 $0xFFFFE003, lr  }
0x1b: {  	s9 =	sadd.s32 $0xFFFFFEF7, lr;
	s5 =	simm.s32 $0xFFFFFFFF;
	p2 =	slt.u32 s8, $0xFFFFF086  }
0x1c: {  	p1 =	slt.u32 s9, $0xF7A;
	s5 =	simm.s32 @!p2 $0x0  }
0x1d: {  	s5 =	simm.s32 @p1 $0x1;
	p0 =	seq.s32 s7, s2  }
0x1e: {  	s7 =	smul.u32 @!p0 $0xF7A, s2;
	p2 =	seq.s32 @!p0 s5, $0x0  }
0x1f: {  	s9 =	smul.u32 $0xF7A, s1;
	s8 =	simm.s32 @!p0 $0x1BF5;
	p2 =	por !p2, p0  }
0x20: {  	[sflag:s8] =	ssyncset.s32 @!p0 $0xFFFFF086;
	s6 =	sadd.s32 @!p0 s3, s7;
	s7 =	simm.s32 @!p0 $0x108  }
0x21: {  	s3 =	sadd.s32 s3, s9;
	s6 =	sadd.s32 @!p0 $0x88, s6;
	s7 =	simm.s32 @p2 $0x1082  }
0x22: {  	[simem:s7], [sflag:s8] =	dma.local @!p0 [hbm:s6], $0xF7A  }
0x23: {  	s9 =	sor.u32 $0xD0000000, s2;
	s6 =	simm.s32 $0x108;
	_ =	swait.ge @!p0 [sflag:s8], $0x0  }
0x24: {  	s3 =	sadd.s32 $0x88, s3;
	s6 =	simm.s32 @!p1 $0x1082;
	[sflag:s4] =	ssyncset.s32 $0xFFFFF086  }
0x25: {  	[simem:s6], [sflag:s4] =	dma.local [hbm:s3], $0xF7A  }
0x26: {  	[smem:$0x3F97] =	sst s1;
	(tag) =	ssettag s2;
	_ =	strace s9  }
0x27: {  	s1 =	sld [smem:$0x3FA7]  }
0x28: {  	s2 =	sld [smem:$0x3FA8]  }
0x29: {  	s4 =	sld [smem:$0x3FAA]  }
0x2a: {  	p0 =	seq.s32 s5, $0x0;
	s5 =	sld [smem:$0x3FAB]  }
0x2b: {  	s6 =	sld [smem:$0x3FAC]  }
0x2c: {  	s7 =	sld [smem:$0x3FAD]  }
0x2d: {  	s3 =	simm.s32 $0x108;
	s8 =	sld [smem:$0x3FAE]  }
0x2e: {  	s3 =	simm.s32 @!p0 $0x1082;
	s9 =	sld [smem:$0x3FAF]  }
0x2f: {  	lr =	sadd.s32 s0, s3;
	s0 =	sld [smem:$0x3FA6]  }
0x30: {  	s3 =	sld [smem:$0x3FA9]  }
0x31: {  	[smem:$0x3FB2] =	sst s10  }
0x32: {  	s10 =	sld [smem:$0x3FB0];
	_ =	sdelay $0x3  }
0x33: {  	p0 =	seq.s32 s10, $0x1;
	s10 =	sld [smem:$0x3FB2];
	_ =	sdelay $0x3  }
0x34: {  	[smem:$0x3FB2] =	sst s10  }
0x35: {  	s10 =	sld [smem:$0x3FB1];
	_ =	sdelay $0x3  }
0x36: {  	p1 =	seq.s32 s10, $0x1;
	s10 =	sld [smem:$0x3FB2];
	_ =	sdelay $0x3  }
0x37: {  	[smem:$0x3FB2] =	sst s10  }
0x38: {  	s10 =	sld [smem:$0x3FB3]  }
0x39: {  	_ = 	snop;
	(pc) =	sbr.ind lr, $3  }
0x3a: {  	_ = 	snop  }
0x3b: {  	_ = 	snop  }
0x3c: {  	p2 =	seq.s32 s10, $0x1;
	s10 =	sld [smem:$0x3FB2]  }
0x3d: {  	_ =	shalt  }
0x3e: {  	_ =	shalt  }
0x3f: {  	_ =	shalt  }
0x40: {  	_ =	shalt  }
0x41: {  	_ =	shalt  }
0x42: {  	_ =	shalt  }
0x43: {  	_ =	shalt  }
0x44: {  	_ =	shalt  }
0x45: {  	_ =	shalt  }
0x46: {  	_ =	shalt  }
0x47: {  	_ =	shalt  }
0x48: {  	_ =	shalt  }
0x49: {  	_ =	shalt  }
0x4a: {  	_ =	shalt  }
0x4b: {  	_ =	shalt  }
0x4c: {  	_ =	shalt  }
0x4d: {  	_ =	shalt  }
0x4e: {  	_ =	shalt  }
0x4f: {  	_ =	shalt  }
0x50: {  	_ =	shalt  }
0x51: {  	_ =	shalt  }
0x52: {  	_ =	shalt  }
0x53: {  	_ =	shalt  }
0x54: {  	_ =	shalt  }
0x55: {  	_ =	shalt  }
0x56: {  	_ =	shalt  }
0x57: {  	_ =	shalt  }
0x58: {  	_ =	shalt  }
0x59: {  	_ =	shalt  }
0x5a: {  	_ =	shalt  }
0x5b: {  	_ =	shalt  }
0x5c: {  	_ =	shalt  }
0x5d: {  	_ =	shalt  }
0x5e: {  	_ =	shalt  }
0x5f: {  	_ =	shalt  }
0x60: {  	_ =	shalt  }
0x61: {  	_ =	shalt  }
0x62: {  	_ =	shalt  }
0x63: {  	_ =	shalt  }
0x64: {  	_ =	shalt  }
0x65: {  	_ =	shalt  }
0x66: {  	_ =	shalt  }
0x67: {  	_ =	shalt  }
0x68: {  	_ =	shalt  }
0x69: {  	_ =	shalt  }
0x6a: {  	_ =	shalt  }
0x6b: {  	_ =	shalt  }
0x6c: {  	_ =	shalt  }
0x6d: {  	_ =	shalt  }
0x6e: {  	_ =	shalt  }
0x6f: {  	_ =	shalt  }
0x70: {  	_ =	shalt  }
0x71: {  	_ =	shalt  }
0x72: {  	_ =	shalt  }
0x73: {  	_ =	shalt  }
0x74: {  	_ =	shalt  }
0x75: {  	_ =	shalt  }
0x76: {  	_ =	shalt  }
0x77: {  	_ =	shalt  }
0x78: {  	_ =	shalt  }
0x79: {  	_ =	shalt  }
0x7a: {  	_ =	shalt  }
0x7b: {  	_ =	shalt  }
0x7c: {  	_ =	shalt  }
0x7d: {  	_ =	shalt  }
0x7e: {  	_ =	shalt  }
0x7f: {  	_ =	shalt  }
0x80: {  	_ =	shalt  }
0x81: {  	_ =	shalt  }
0x82: {  	_ =	shalt  }
0x83: {  	_ =	shalt  }
0x84: {  	_ =	shalt  }
0x85: {  	_ =	shalt  }
0x86: {  	_ =	shalt  }
0x87: {  	_ =	shalt  }
.Lfunc_end0:
.L_simem_size_0:
called_computation.1_lowered:
.L_overlay_start_0:
0x88: {  	s2 =	sld [smem:$0x3FD9]  }
0x89: {  	s3 =	sld [smem:$0x3FFE];
	_ =	sdelay $0x1  }
0x8a: {  	s1 =	srdreg.scid  }
0x8b: {  	s0 =	sand.u32 $0x1, s1  }
0x8c: {  	s17 =	sshll.u32 s0, $0xA;
	s2 =	sadd.s32 s3, s2  }
0x8d: {  	s2 =	sadd.s32 s2, s17  }
0x8e: {  	[smem:$0x3FBE] =	sst s2  }
0x8f: {  	_ = 	snop  }
0x90: {  	s2 =	sld [smem:$0x3FD0];
	(tm) =	ssettm $0x1  }
0x91: {  	s18 =	sld [smem:$0x3FFB];
	_ =	sdelay $0x3  }
0x92: {  	_ =	strace s18  }
0x93: {  	s3 =	sld [smem:$0x3FFC];
	_ =	sdelay $0x3  }
0x94: {  	_ =	strace s3  }
0x95: {  	s3 =	sld [smem:$0x3FFD];
	_ =	sdelay $0x3  }
0x96: {  	_ =	strace s3  }
0x97: {  	_ =	strace $0x8FFFFFFF  }
0x98: {  	s19 =	sld [smem:$0x3FDB];
	_ =	sdelay $0x1  }
0x99: {  	s4 =	simm.s32 $_scs_section_size  }
0x9a: {  	s5 =	simm.s32 $_size__tile_overlayer_lowered;
	s6 =	simm.s32 $_tile_overlayer_lowered  }
0x9b: {  	s22 =	simm.s32 $0x1BFF;
	s21 =	sshll.u32 s6, $0x1;
	s3 =	sadd.s32 s4, s19  }
0x9c: {  	s7 =	simm.s32 $0x0;
	s20 =	sshll.u32 s5, $0x1;
	s5 =	sadd.s32 s21, s3  }
0x9d: {  	[timem:s7], [sflag:s22] =	dma.local [hbm:s5], s20  }
0x9e: {  	_ =	swait.ge [sflag:s22], s20  }
0x9f: {  	s4 =	ssub.s32 $0x0, s20;
	[sflag:s22] =	ssyncset.done $0x0  }
0xa0: {  	[sflag:s22] =	ssyncadd.s32 s4;
	_ =	sdelay $0x1  }
0xa1: {  	s23 =	simm.s32 $0x1B8B  }
0xa2: {  	_ =	swait.ge [sflag:s23], $0x1  }
0xa3: {  	[sflag:s23] =	ssyncset.done $0x0  }
0xa4: {  	s25 =	simm.s32 $0x1B8E;
	s24 =	sld [smem:$0x3FFE];
	[sflag:s23] =	ssyncadd.s32 $0xFFFFFFFF  }
0xa5: {  	s26 =	simm.s32 $execute0_lowered;
	[smem:$0x3FD2] =	sst s25  }
0xa6: {  	s5 =	sshll.u32 s26, $0x1;
	_ =	strace $0x80000049;
	[dreg:$0x1] =	wrdreg $0xFFFFFFFF  }
0xa7: {  	s28 =	simm.s32 $_size_execute0_lowered;
	s3 =	sadd.s32 s3, s5;
	[dreg:$0x0] =	wrdreg $0x0  }
0xa8: {  	s5 =	sshll.u32 s28, $0x1;
	[dreg:$0x2] =	wrdreg s3  }
0xa9: {  	[dreg:$0x3] =	wrdreg s5  }
0xaa: {  	[dreg:$0x4] =	wrdreg $0xC0  }
0xab: {  	_ =	task [dreg:s7], $0x5FFFF  }
0xac: {  	[dreg:$0x1] =	wrdreg $0xFFFFFFFF  }
0xad: {  	[dreg:$0x0] =	wrdreg $0x60  }
0xae: {  	[dreg:$0x2] =	wrdreg s2  }
0xaf: {  	[dreg:$0x3] =	wrdreg s24  }
0xb0: {  	[dreg:$0x4] =	wrdreg $0xA8000  }
0xb1: {  	[dreg:$0x5] =	wrdreg $0x9  }
0xb2: {  	_ =	task.clear_ibuf [dreg:s7], $0x6FFFF;
	_ =	strace $0x90000049  }
0xb3: {  	s29 =	simm.s32 $0x9;
	_ =	strace $0x8000004B  }
0xb4: {  	_ =	swait.ge [sflag:s29], $0x1  }
0xb5: {  	[sflag:s29] =	ssyncadd.s32 $0xFFFFFFFF  }
0xb6: {  	_ =	strace $0x9000004B  }
0xb7: {  	_ =	sfence  }
0xb8: {  	s30 =	sld [smem:$0x0];
	_ =	sdelay $0x2  }
0xb9: {  	s31 =	sshll.u32 s1, $0xD;
	s1 =	sshrl.u32 s1, $0x2  }
0xba: {  	s3 =	sand.u32 $0x4000, s31;
	s1 =	sadd.s32 s1, s30  }
0xbb: {  	s0 =	sor.u32 s3, s0;
	s1 =	sshll.u32 s1, $0x11  }
0xbc: {  	s0 =	sor.u32 s1, s0  }
0xbd: {  	s0 =	sadd.s32 $0x8F2B, s0  }
0xbe: {  	[sflag:s0] =	ssyncadd.remote.s32 $0x1  }
0xbf: {  	_ =	sfence.sel $0xFFFF  }
0xc0: {  	[dreg:$0x0] =	wrdreg $0xFFFFFFFF;
	(pc) =	sbr.abs _section_cstart, $3  }
0xc1: {  	[dreg:$0x1] =	wrdreg $0xFFFFFFFF  }
0xc2: {  	_ =	task.clear_ibuf [dreg:s7], $0x2FFFF;
	_ =	strace $0x9FFFFFFF  }
0xc3: {  	(tm) =	ssettm $0x7FFFFFFF  }
tec
execute0_lowered:
.L_overlay_start_1:
0x0: {  	(tag) =	ssettag $0x1  }
0x1: {  	s11 =	rddreg [dreg:$0x0]  }
0x2: {  	s4 =	rddreg [dreg:$0x1];
	s0 =	srdreg.scid  }
0x3: {  	s2 =	rddreg [dreg:$0x2];
	s1 =	stileid.u32  }
0x4: {  	s3 =	simm.s32 $0x0;
	s18 =	simm.s32 $0x1;
	s19 =	simm.s32 $0x80  }
0x5: {  	s20 =	simm.s32 $0x2;
	s21 =	simm.s32 $0x2780;
	s22 =	simm.s32 $0x6800  }
0x6: {  	s23 =	simm.s32 $0x2700;
	s24 =	simm.s32 $0x0;
	s6 =	smul.u32 $0x13C00, s1  }
0x7: {  	s8 =	sand.u32 $0x1, s0;
	s0 =	rddreg [dreg:$0x3];
	s28 =	smul.u32 $0x2800, s1  }
0x8: {  	[smem:$0x7FF] =	sst s3;
	s12 =	sadd.s32 $0xC600, s4;
	s7 =	smul.u32 $0x4F000, s1  }
0x9: {  	s13 =	sadd.s32 $0x7600, s4;
	s5 =	smul.u32 $0x13C000, s8;
	s29 =	ssub.s32 $0x2, s8  }
0xa: {  	_ =	strace $0x8000004A;
	s16 =	smul.u32 $0x27100, s8;
	s30 =	sshrl.u32 s29, $0x1  }
0xb: {  	s10 =	sshrl.u32 s28, $0x3;
	s31 =	sshrl.u32 s7, $0x2;
	s5 =	sadd.s32 s6, s5  }
0xc: {  	s15 =	ssub.s32 s29, s30;
	s6 =	sadd.s32 s13, s10;
	s17 =	sadd.s32 $0x280, s10  }
0xd: {  	s11 =	sadd.s32 s11, s16;
	s16 =	simm.s32 $0x1400;
	s5 =	sshrl.u32 s5, $0x3  }
0xe: {  	s13 =	sadd.s32 s13, s17;
	s15 =	smax.u32 s15, $0x1;
	s14 =	sadd.s32 s5, s4  }
0xf: {  	s4 =	sadd.s32 s12, s10;
	s5 =	sadd.s32 s31, s2;
	s12 =	sadd.s32 s12, s17  }
0x10: {  	s17 =	simm.s32 $0x2800;
	s7 =	sadd.s32 $0x4000, s5;
	s8 =	sadd.s32 $0x8000, s5  }
0x11: {  	v0 =	vimm.f32 $0.0e+00;
	s9 =	sadd.s32 $0xC000, s5;
	s10 =	sadd.s32 $0x10000, s5;
	s14 =	sadd.s32 $0x11600, s14  }
.LBB2_1:
0x12: {  	[tilespmem:s3], [sflag:$0x1] =	stream.linear.gather [hbm4b:s4+s3], $0x1400, $0x38;
	[tilespmem:$0x1E400] =	vst v63  }
0x13: {  	s25 =	sand.u32 $0xFE00, s3  }
0x14: {  	s26 =	sand.u32 $0x70, s3;
	s28 =	sshrl.u32 s25, $0x2  }
0x15: {  	[tilespmem:s16], [sflag:$0x1] =	stream.linear.gather [hbm4b:s6+s3], $0x1400, $0x38;
	[tilespmem:$0x1E400] =	vst v63  }
0x16: {  	s25 =	simm.s32 $0x40;
	s28 =	sor.u32 s26, s28;
	s26 =	simm.s32 $0x0  }
.LBB2_2:
0x17: {  	p0 =	sne.s32 s25, $0xFFC0  }
0x18: {  	[tilespmem:s28+$0x2800] =	vst v0;
	s26 =	sadd.s32 $0x10, s26;
	s28 =	smov.u32 s25;
	s25 =	sadd.s32 $0x40, s25  }
.Ltmp0:
0x19: {  	(pc) =	sbr.rel @p0 .LBB2_2-.Ltmp0, $4  }
0x1a: {  	_ = 	snop  }
0x1b: {  	s28 =	sand.u32 $0xFE00, s28  }
0x1c: {  	s29 =	sand.u32 $0x70, s26;
	s28 =	sshrl.u32 s28, $0x2  }
0x1d: {  	s28 =	sor.u32 s29, s28  }
0x1e: {  	[tilespmem:s28+$0x2800] =	vst v0  }
0x1f: {  	[spmem:s5] =	stream.linear.scatter [tilespmem:s17], [sflag:$0x1], $0x4000, $0x38;
	[tilespmem:$0x1E400] =	vst v63  }
0x20: {  	_ = 	snop  }
0x21: {  	[spmem:s7] =	stream.linear.scatter [tilespmem:s17], [sflag:$0x1], $0x4000, $0x38;
	[tilespmem:$0x1E400] =	vst v63  }
0x22: {  	_ = 	snop  }
0x23: {  	[spmem:s8] =	stream.linear.scatter [tilespmem:s17], [sflag:$0x1], $0x4000, $0x38;
	[tilespmem:$0x1E400] =	vst v63  }
0x24: {  	_ = 	snop  }
0x25: {  	[spmem:s9] =	stream.linear.scatter [tilespmem:s17], [sflag:$0x1], $0x4000, $0x38;
	[tilespmem:$0x1E400] =	vst v63  }
0x26: {  	_ = 	snop  }
0x27: {  	[spmem:s10] =	stream.linear.scatter [tilespmem:s17], [sflag:$0x1], $0x3C00, $0x38;
	[tilespmem:$0x1E400] =	vst v63  }
0x28: {  	_ =	swait.ge [sflag:s18], $0x1400  }
0x29: {  	[sflag:s18] =	ssyncset.done $0x0  }
0x2a: {  	[sflag:s18] =	ssyncadd.s32 $0xFFFFEC00  }
0x2b: {  	_ =	swait.ge [sflag:s18], $0x1400  }
0x2c: {  	[sflag:s18] =	ssyncset.done $0x0  }
0x2d: {  	[sflag:s18] =	ssyncadd.s32 $0xFFFFEC00  }
0x2e: {  	_ =	swait.ge [sflag:s18], $0x4000  }
0x2f: {  	[sflag:s18] =	ssyncset.done $0x0  }
0x30: {  	[sflag:s18] =	ssyncadd.s32 $0xFFFFC000  }
0x31: {  	_ =	swait.ge [sflag:s18], $0x4000  }
0x32: {  	[sflag:s18] =	ssyncset.done $0x0  }
0x33: {  	[sflag:s18] =	ssyncadd.s32 $0xFFFFC000  }
0x34: {  	_ =	swait.ge [sflag:s18], $0x4000  }
0x35: {  	[sflag:s18] =	ssyncset.done $0x0  }
0x36: {  	[sflag:s18] =	ssyncadd.s32 $0xFFFFC000  }
0x37: {  	_ =	swait.ge [sflag:s18], $0x4000  }
0x38: {  	[sflag:s18] =	ssyncset.done $0x0  }
0x39: {  	[sflag:s18] =	ssyncadd.s32 $0xFFFFC000  }
0x3a: {  	_ =	swait.ge [sflag:s18], $0x3C00  }
0x3b: {  	[sflag:s18] =	ssyncset.done $0x0  }
0x3c: {  	[sflag:s18] =	ssyncadd.s32 $0xFFFFC400  }
0x3d: {  	s25 =	simm.s32 $0x80;
	s26 =	simm.s32 $0x0;
	[bflag:$0x0] =	sbarrier.arrive $0xFFFF  }
0x3e: {  	[tilespmem:s17], [sflag:$0x1] =	stream.indirect.gather [hbm4b:s11+s25], $0x80, s26, s25, $0xb8;
	[tilespmem:$0x1E400] =	vst v63  }
0x3f: {  	s31 =	simm.s32 $0x0;
	_ =	swait.ge [sflag:s18], $0x4000  }
0x40: {  	s28 =	sand.u32 $0x4000, s31;
	[sflag:s18] =	ssyncset.done $0x0  }
0x41: {  	s26 =	sxor.u32 $0x6800, s28;
	[sflag:s18] =	ssyncadd.s32 $0xFFFFC000  }
0x42: {  	[tilespmem:s26], [sflag:$0x1] =	stream.indirect.gather [hbm4b:s11+s19], $0x80, s25, s19, $0xb8;
	[tilespmem:$0x1E400] =	vst v63  }
0x43: {  	s28 =	sor.u32 $0x2800, s28;
	s26 =	simm.s32 $0x1400  }
0x44: {  	[spmem:s2] =	stream.indirect.scatter.add.f32 [tilespmem:s28], [sflag:$0x2], $0x80, s26, s19, $0xb8;
	[tilespmem:$0x1E400] =	vst v63  }
0x45: {  	_ =	swait.ge [sflag:s20], $0x4000  }
0x46: {  	s28 =	simm.s32 $0x1;
	[sflag:s20] =	ssyncset.done $0x0  }
.LBB2_4:
0x47: {  	[sflag:s20] =	ssyncadd.s32 $0xFFFFC000  }
0x48: {  	s26 =	sadd.s32 $0x80, s26;
	s25 =	sadd.s32 $0x80, s25;
	s29 =	smov.u32 s28  }
0x49: {  	p0 =	sne.s32 s28, $0x26;
	s28 =	sadd.s32 $0x1, s28;
	_ =	swait.ge [sflag:s18], $0x4000  }
0x4a: {  	s29 =	sshll.u32 s29, $0xE;
	[sflag:s18] =	ssyncset.done $0x0  }
0x4b: {  	s29 =	sand.u32 $0x4000, s29;
	[sflag:s18] =	ssyncadd.s32 $0xFFFFC000  }
0x4c: {  	s30 =	sxor.u32 $0x6800, s29  }
0x4d: {  	[tilespmem:s30], [sflag:$0x1] =	stream.indirect.gather [hbm4b:s11+s19], $0x80, s25, s19, $0xb8;
	[tilespmem:$0x1E400] =	vst v63  }
.Ltmp1:
0x4e: {  	_ = 	snop;
	(pc) =	sbr.rel @p0 .LBB2_4-.Ltmp1, $4  }
0x4f: {  	s29 =	sor.u32 $0x2800, s29  }
0x50: {  	[spmem:s2] =	stream.indirect.scatter.add.f32 [tilespmem:s29], [sflag:$0x2], $0x80, s26, s19, $0xb8;
	[tilespmem:$0x1E400] =	vst v63  }
0x51: {  	_ =	swait.ge [sflag:s20], $0x4000  }
0x52: {  	[sflag:s20] =	ssyncset.done $0x0  }
0x53: {  	[sflag:s20] =	ssyncadd.s32 $0xFFFFC000  }
0x54: {  	_ =	swait.ge [sflag:s18], $0x4000  }
0x55: {  	[sflag:s18] =	ssyncset.done $0x0  }
0x56: {  	s25 =	simm.s32 $0x80;
	[sflag:s18] =	ssyncadd.s32 $0xFFFFC000  }
0x57: {  	[spmem:s2] =	stream.indirect.scatter.add.f32 [tilespmem:s22], [sflag:$0x2], $0x80, s21, s25, $0xb8;
	[tilespmem:$0x1E400] =	vst v63  }
0x58: {  	_ =	swait.ge [sflag:s20], $0x4000  }
0x59: {  	[sflag:s20] =	ssyncset.done $0x0  }
0x5a: {  	s28 =	simm.s32 $0x0;
	[sflag:s20] =	ssyncadd.s32 $0xFFFFC000  }
0x5b: {  	[tilespmem:s28], [sflag:$0x2] =	stream.linear.gather [hbm4b:s12+s28], $0x1400, $0x38;
	[tilespmem:$0x1E400] =	vst v63  }
0x5c: {  	_ =	swait.ge [sflag:s20], $0x1400  }
0x5d: {  	[sflag:s20] =	ssyncset.done $0x0  }
0x5e: {  	s26 =	simm.s32 $0x1400;
	[sflag:s20] =	ssyncadd.s32 $0xFFFFEC00  }
0x5f: {  	[tilespmem:s26], [sflag:$0x2] =	stream.linear.gather [hbm4b:s13+s28], $0x1400, $0x38;
	[tilespmem:$0x1E400] =	vst v63  }
0x60: {  	_ =	swait.ge [sflag:s20], $0x1400  }
0x61: {  	[sflag:s20] =	ssyncset.done $0x0  }
0x62: {  	[sflag:s20] =	ssyncadd.s32 $0xFFFFEC00  }
0x63: {  	[tilespmem:s17], [sflag:$0x1] =	stream.indirect.gather [hbm4b:s11+s25], $0x80, s28, s25, $0xb8;
	[tilespmem:$0x1E400] =	vst v63  }
0x64: {  	s28 =	simm.s32 $0x0;
	_ =	swait.ge [sflag:s18], $0x4000  }
0x65: {  	s28 =	sand.u32 $0x4000, s28;
	[sflag:s18] =	ssyncset.done $0x0  }
0x66: {  	s29 =	sxor.u32 $0x6800, s28;
	[sflag:s18] =	ssyncadd.s32 $0xFFFFC000  }
0x67: {  	[tilespmem:s29], [sflag:$0x1] =	stream.indirect.gather [hbm4b:s11+s19], $0x80, s25, s19, $0xb8;
	[tilespmem:$0x1E400] =	vst v63  }
0x68: {  	s28 =	sor.u32 $0x2800, s28  }
0x69: {  	[spmem:s2] =	stream.indirect.scatter.add.f32 [tilespmem:s28], [sflag:$0x2], $0x80, s26, s19, $0xb8;
	[tilespmem:$0x1E400] =	vst v63  }
0x6a: {  	_ =	swait.ge [sflag:s20], $0x4000  }
0x6b: {  	s28 =	simm.s32 $0x1;
	[sflag:s20] =	ssyncset.done $0x0  }
.LBB2_6:
0x6c: {  	[sflag:s20] =	ssyncadd.s32 $0xFFFFC000  }
0x6d: {  	s26 =	sadd.s32 $0x80, s26;
	s25 =	sadd.s32 $0x80, s25;
	s29 =	smov.u32 s28  }
0x6e: {  	p0 =	sne.s32 s28, $0x25;
	s28 =	sadd.s32 $0x1, s28;
	_ =	swait.ge [sflag:s18], $0x4000  }
0x6f: {  	s29 =	sshll.u32 s29, $0xE;
	[sflag:s18] =	ssyncset.done $0x0  }
0x70: {  	s29 =	sand.u32 $0x4000, s29;
	[sflag:s18] =	ssyncadd.s32 $0xFFFFC000  }
0x71: {  	s30 =	sxor.u32 $0x6800, s29  }
0x72: {  	[tilespmem:s30], [sflag:$0x1] =	stream.indirect.gather [hbm4b:s11+s19], $0x80, s25, s19, $0xb8;
	[tilespmem:$0x1E400] =	vst v63  }
.Ltmp2:
0x73: {  	_ = 	snop;
	(pc) =	sbr.rel @p0 .LBB2_6-.Ltmp2, $4  }
0x74: {  	s29 =	sor.u32 $0x2800, s29  }
0x75: {  	[spmem:s2] =	stream.indirect.scatter.add.f32 [tilespmem:s29], [sflag:$0x2], $0x80, s26, s19, $0xb8;
	[tilespmem:$0x1E400] =	vst v63  }
0x76: {  	_ =	swait.ge [sflag:s20], $0x4000  }
0x77: {  	[sflag:s20] =	ssyncset.done $0x0  }
0x78: {  	[sflag:s20] =	ssyncadd.s32 $0xFFFFC000  }
0x79: {  	_ =	swait.ge [sflag:s18], $0x4000  }
0x7a: {  	[sflag:s18] =	ssyncset.done $0x0  }
0x7b: {  	[sflag:s18] =	ssyncadd.s32 $0xFFFFC000  }
0x7c: {  	[spmem:s2] =	stream.indirect.scatter.add.f32 [tilespmem:s17], [sflag:$0x2], $0x80, s23, s19, $0xb8;
	[tilespmem:$0x1E400] =	vst v63  }
0x7d: {  	_ =	swait.ge [sflag:s20], $0x4000  }
0x7e: {  	s25 =	sshll.u32 s1, $0x6;
	s24 =	sadd.s32 $0x1, s24;
	[sflag:s20] =	ssyncset.done $0x0  }
0x7f: {  	s26 =	sshrl.u32 s5, $0x3;
	p0 =	sne.s32 s24, s15;
	[sflag:s20] =	ssyncadd.s32 $0xFFFFC000  }
.Ltmp3:
0x80: {  	s25 =	sor.u32 $0x1C02, s25;
	[bflag:$0x0] =	sbarrier.arrive $0xFFFF;
	(pc) =	sbr.rel @p0 .LBB2_1-.Ltmp3, $4  }
0x81: {  	[hbm:s14], [sflag:s25] =	dma.local [spmem:s26], $0x2780  }
0x82: {  	_ =	swait.ge [sflag:s20], $0x2780  }
0x83: {  	[sflag:s20] =	ssyncset.done $0x0  }
0x84: {  	[sflag:s20] =	ssyncadd.s32 $0xFFFFD880  }
0x85: {  	_ =	sfence.sel $0x180000  }
0x86: {  	[bflag:$0x0] =	sbarrier.arrive $0xFFFF  }
0x87: {  	p0 =	sne.s32 s1, $0x0;
	_ =	strace $0x9000004A  }
0x88: {  	s0 =	sadd.s32 @!p0 $0x100000, s0;
	[bflag:$0x2] =	sbarrier.arrive $0xFFFF  }
0x89: {  	[sflag:s0] =	ssyncadd.tile.s32 @!p0 $0x1;
	_ =	shalt  }
.Lfunc_end2:
_tile_overlayer_lowered:
.L_overlay_start_2:
0x8a: {  	(tag) =	ssettag $0x2  }
0x8b: {  	s0 =	rddreg [dreg:$0x0];
	s2 =	stileid.u32  }
0x8c: {  	s1 =	rddreg [dreg:$0x1];
	p0 =	sne.s32 s2, $0x0  }
0x8d: {  	s3 =	rddreg [dreg:$0x2];
	[bflag:$0x3] =	sbarrier.arrive $0xFFFF;
	s2 =	simm.s32 @!p0 $0x1C02  }
0x8e: {  	[timem:s3], [sflag:s2] =	dma.local @!p0 [hbm:s0], s1  }
0x8f: {  	s0 =	simm.s32 @!p0 $0x2  }
0x90: {  	_ =	swait.ge @!p0 [sflag:s0], s1  }
0x91: {  	s1 =	ssub.s32 @!p0 $0x0, s1;
	[sflag:s0] =	ssyncset.done @!p0 $0x0  }
0x92: {  	[sflag:s0] =	ssyncadd.s32 @!p0 s1  }
0x93: {  	[bflag:$0x3] =	sbarrier.arrive $0xFFFF  }
0x94: {  	_ =	shalt  }

// kernel: kernel.7.cloned.1.call-start
scs
__scs_entry_jumppad:
0x0: {  	(pc) =	sbr.rel $0x88, $3  }
0x1: {  	(tag) =	ssettag $0x0;
	lr =	simm.s32 $0x1  }
0x2: {  	[smem:$0x3F97] =	sst lr;
	_ =	strace $0xD0000000  }
0x3: {  	_ = 	snop  }
0x4: {  	_ = 	snop  }
0x5: {  	_ = 	snop  }
0x6: {  	_ = 	snop  }
0x7: {  	_ = 	snop  }
__scs_overlays_trampoline_lowered:
0x8: {  	[smem:$0x3FA6] =	sst s0  }
0x9: {  	[smem:$0x3FA7] =	sst s1  }
0xa: {  	[smem:$0x3FA8] =	sst s2  }
0xb: {  	[smem:$0x3FA9] =	sst s3  }
0xc: {  	[smem:$0x3FAA] =	sst s4  }
0xd: {  	[smem:$0x3FAB] =	sst s5  }
0xe: {  	[smem:$0x3FAC] =	sst s6  }
0xf: {  	[smem:$0x3FAD] =	sst s7  }
0x10: {  	[smem:$0x3FAE] =	sst s8  }
0x11: {  	[smem:$0x3FAF] =	sst s9;
	s0 =	simm.s32 @!p0 $0x0  }
0x12: {  	s1 =	sld [smem:$0x3F95];
	s0 =	simm.s32 @p0 $0x1  }
0x13: {  	[smem:$0x3FB0] =	sst s0;
	s0 =	simm.s32 @!p1 $0x0  }
0x14: {  	s2 =	sld [smem:$0x3F94];
	s0 =	simm.s32 @p1 $0x1  }
0x15: {  	[smem:$0x3FB1] =	sst s0;
	s0 =	simm.s32 @!p2 $0x0  }
0x16: {  	s3 =	sld [smem:$0x3FDB];
	s0 =	simm.s32 @p2 $0x1  }
0x17: {  	s4 =	simm.s32 $0x1BF5;
	[smem:$0x3FB3] =	sst s0  }
0x18: {  	s0 =	sld [smem:$0x3F96];
	_ =	swait.ge [sflag:s4], $0x0  }
0x19: {  	s7 =	sld [smem:$0x3F97]  }
0x1a: {  	s8 =	sadd.s32 $0xFFFFE003, lr  }
0x1b: {  	s9 =	sadd.s32 $0xFFFFFEF7, lr;
	s5 =	simm.s32 $0xFFFFFFFF;
	p2 =	slt.u32 s8, $0xFFFFF086  }
0x1c: {  	p1 =	slt.u32 s9, $0xF7A;
	s5 =	simm.s32 @!p2 $0x0  }
0x1d: {  	s5 =	simm.s32 @p1 $0x1;
	p0 =	seq.s32 s7, s2  }
0x1e: {  	s7 =	smul.u32 @!p0 $0xF7A, s2;
	p2 =	seq.s32 @!p0 s5, $0x0  }
0x1f: {  	s9 =	smul.u32 $0xF7A, s1;
	s8 =	simm.s32 @!p0 $0x1BF5;
	p2 =	por !p2, p0  }
0x20: {  	[sflag:s8] =	ssyncset.s32 @!p0 $0xFFFFF086;
	s6 =	sadd.s32 @!p0 s3, s7;
	s7 =	simm.s32 @!p0 $0x108  }
0x21: {  	s3 =	sadd.s32 s3, s9;
	s6 =	sadd.s32 @!p0 $0x88, s6;
	s7 =	simm.s32 @p2 $0x1082  }
0x22: {  	[simem:s7], [sflag:s8] =	dma.local @!p0 [hbm:s6], $0xF7A  }
0x23: {  	s9 =	sor.u32 $0xD0000000, s2;
	s6 =	simm.s32 $0x108;
	_ =	swait.ge @!p0 [sflag:s8], $0x0  }
0x24: {  	s3 =	sadd.s32 $0x88, s3;
	s6 =	simm.s32 @!p1 $0x1082;
	[sflag:s4] =	ssyncset.s32 $0xFFFFF086  }
0x25: {  	[simem:s6], [sflag:s4] =	dma.local [hbm:s3], $0xF7A  }
0x26: {  	[smem:$0x3F97] =	sst s1;
	(tag) =	ssettag s2;
	_ =	strace s9  }
0x27: {  	s1 =	sld [smem:$0x3FA7]  }
0x28: {  	s2 =	sld [smem:$0x3FA8]  }
0x29: {  	s4 =	sld [smem:$0x3FAA]  }
0x2a: {  	p0 =	seq.s32 s5, $0x0;
	s5 =	sld [smem:$0x3FAB]  }
0x2b: {  	s6 =	sld [smem:$0x3FAC]  }
0x2c: {  	s7 =	sld [smem:$0x3FAD]  }
0x2d: {  	s3 =	simm.s32 $0x108;
	s8 =	sld [smem:$0x3FAE]  }
0x2e: {  	s3 =	simm.s32 @!p0 $0x1082;
	s9 =	sld [smem:$0x3FAF]  }
0x2f: {  	lr =	sadd.s32 s0, s3;
	s0 =	sld [smem:$0x3FA6]  }
0x30: {  	s3 =	sld [smem:$0x3FA9]  }
0x31: {  	[smem:$0x3FB2] =	sst s10  }
0x32: {  	s10 =	sld [smem:$0x3FB0];
	_ =	sdelay $0x3  }
0x33: {  	p0 =	seq.s32 s10, $0x1;
	s10 =	sld [smem:$0x3FB2];
	_ =	sdelay $0x3  }
0x34: {  	[smem:$0x3FB2] =	sst s10  }
0x35: {  	s10 =	sld [smem:$0x3FB1];
	_ =	sdelay $0x3  }
0x36: {  	p1 =	seq.s32 s10, $0x1;
	s10 =	sld [smem:$0x3FB2];
	_ =	sdelay $0x3  }
0x37: {  	[smem:$0x3FB2] =	sst s10  }
0x38: {  	s10 =	sld [smem:$0x3FB3]  }
0x39: {  	_ = 	snop;
	(pc) =	sbr.ind lr, $3  }
0x3a: {  	_ = 	snop  }
0x3b: {  	_ = 	snop  }
0x3c: {  	p2 =	seq.s32 s10, $0x1;
	s10 =	sld [smem:$0x3FB2]  }
0x3d: {  	_ =	shalt  }
0x3e: {  	_ =	shalt  }
0x3f: {  	_ =	shalt  }
0x40: {  	_ =	shalt  }
0x41: {  	_ =	shalt  }
0x42: {  	_ =	shalt  }
0x43: {  	_ =	shalt  }
0x44: {  	_ =	shalt  }
0x45: {  	_ =	shalt  }
0x46: {  	_ =	shalt  }
0x47: {  	_ =	shalt  }
0x48: {  	_ =	shalt  }
0x49: {  	_ =	shalt  }
0x4a: {  	_ =	shalt  }
0x4b: {  	_ =	shalt  }
0x4c: {  	_ =	shalt  }
0x4d: {  	_ =	shalt  }
0x4e: {  	_ =	shalt  }
0x4f: {  	_ =	shalt  }
0x50: {  	_ =	shalt  }
0x51: {  	_ =	shalt  }
0x52: {  	_ =	shalt  }
0x53: {  	_ =	shalt  }
0x54: {  	_ =	shalt  }
0x55: {  	_ =	shalt  }
0x56: {  	_ =	shalt  }
0x57: {  	_ =	shalt  }
0x58: {  	_ =	shalt  }
0x59: {  	_ =	shalt  }
0x5a: {  	_ =	shalt  }
0x5b: {  	_ =	shalt  }
0x5c: {  	_ =	shalt  }
0x5d: {  	_ =	shalt  }
0x5e: {  	_ =	shalt  }
0x5f: {  	_ =	shalt  }
0x60: {  	_ =	shalt  }
0x61: {  	_ =	shalt  }
0x62: {  	_ =	shalt  }
0x63: {  	_ =	shalt  }
0x64: {  	_ =	shalt  }
0x65: {  	_ =	shalt  }
0x66: {  	_ =	shalt  }
0x67: {  	_ =	shalt  }
0x68: {  	_ =	shalt  }
0x69: {  	_ =	shalt  }
0x6a: {  	_ =	shalt  }
0x6b: {  	_ =	shalt  }
0x6c: {  	_ =	shalt  }
0x6d: {  	_ =	shalt  }
0x6e: {  	_ =	shalt  }
0x6f: {  	_ =	shalt  }
0x70: {  	_ =	shalt  }
0x71: {  	_ =	shalt  }
0x72: {  	_ =	shalt  }
0x73: {  	_ =	shalt  }
0x74: {  	_ =	shalt  }
0x75: {  	_ =	shalt  }
0x76: {  	_ =	shalt  }
0x77: {  	_ =	shalt  }
0x78: {  	_ =	shalt  }
0x79: {  	_ =	shalt  }
0x7a: {  	_ =	shalt  }
0x7b: {  	_ =	shalt  }
0x7c: {  	_ =	shalt  }
0x7d: {  	_ =	shalt  }
0x7e: {  	_ =	shalt  }
0x7f: {  	_ =	shalt  }
0x80: {  	_ =	shalt  }
0x81: {  	_ =	shalt  }
0x82: {  	_ =	shalt  }
0x83: {  	_ =	shalt  }
0x84: {  	_ =	shalt  }
0x85: {  	_ =	shalt  }
0x86: {  	_ =	shalt  }
0x87: {  	_ =	shalt  }
.Lfunc_end0:
.L_simem_size_0:
called_computation_lowered:
.L_overlay_start_0:
0x88: {  	s2 =	sld [smem:$0x3FD9]  }
0x89: {  	s3 =	sld [smem:$0x3FFE];
	_ =	sdelay $0x1  }
0x8a: {  	s1 =	srdreg.scid  }
0x8b: {  	s0 =	sand.u32 $0x1, s1  }
0x8c: {  	s16 =	sshll.u32 s0, $0xA;
	s2 =	sadd.s32 s3, s2  }
0x8d: {  	s2 =	sadd.s32 s2, s16  }
0x8e: {  	[smem:$0x3FBE] =	sst s2  }
0x8f: {  	_ = 	snop  }
0x90: {  	(tm) =	ssettm $0x1  }
0x91: {  	s17 =	sld [smem:$0x3FFB];
	_ =	sdelay $0x3  }
0x92: {  	_ =	strace s17  }
0x93: {  	s2 =	sld [smem:$0x3FFC];
	_ =	sdelay $0x3  }
0x94: {  	_ =	strace s2  }
0x95: {  	s2 =	sld [smem:$0x3FFD];
	_ =	sdelay $0x3  }
0x96: {  	_ =	strace s2  }
0x97: {  	_ =	strace $0x8FFFFFFF  }
0x98: {  	s18 =	sld [smem:$0x3FDB];
	_ =	sdelay $0x1  }
0x99: {  	s19 =	simm.s32 $_scs_section_size  }
0x9a: {  	s4 =	simm.s32 $_size__tile_overlayer_lowered;
	s5 =	simm.s32 $_tile_overlayer_lowered  }
0x9b: {  	s22 =	simm.s32 $0x1BFF;
	s21 =	sshll.u32 s5, $0x1;
	s2 =	sadd.s32 s19, s18  }
0x9c: {  	s6 =	simm.s32 $0x0;
	s20 =	sshll.u32 s4, $0x1;
	s4 =	sadd.s32 s21, s2  }
0x9d: {  	[timem:s6], [sflag:s22] =	dma.local [hbm:s4], s20  }
0x9e: {  	_ =	swait.ge [sflag:s22], s20  }
0x9f: {  	s3 =	ssub.s32 $0x0, s20;
	[sflag:s22] =	ssyncset.done $0x0  }
0xa0: {  	[sflag:s22] =	ssyncadd.s32 s3;
	_ =	sdelay $0x1  }
0xa1: {  	s23 =	simm.s32 $0x1B8B  }
0xa2: {  	_ =	swait.ge [sflag:s23], $0x1  }
0xa3: {  	[sflag:s23] =	ssyncset.done $0x0  }
0xa4: {  	s25 =	simm.s32 $0x1B8E;
	s24 =	sld [smem:$0x3FFE];
	[sflag:s23] =	ssyncadd.s32 $0xFFFFFFFF  }
0xa5: {  	s26 =	simm.s32 $execute0_lowered;
	[smem:$0x3FD2] =	sst s25  }
0xa6: {  	s4 =	sshll.u32 s26, $0x1;
	_ =	strace $0x80000046;
	[dreg:$0x1] =	wrdreg $0xFFFFFFFF  }
0xa7: {  	s28 =	simm.s32 $_size_execute0_lowered;
	s2 =	sadd.s32 s2, s4;
	[dreg:$0x0] =	wrdreg $0x0  }
0xa8: {  	s4 =	sshll.u32 s28, $0x1;
	[dreg:$0x2] =	wrdreg s2  }
0xa9: {  	[dreg:$0x3] =	wrdreg s4  }
0xaa: {  	[dreg:$0x4] =	wrdreg $0xC0  }
0xab: {  	_ =	task [dreg:s6], $0x5FFFF  }
0xac: {  	[dreg:$0x1] =	wrdreg $0xFFFFFFFF  }
0xad: {  	[dreg:$0x0] =	wrdreg $0x60  }
0xae: {  	[dreg:$0x2] =	wrdreg s24  }
0xaf: {  	[dreg:$0x3] =	wrdreg $0x41000  }
0xb0: {  	[dreg:$0x4] =	wrdreg $0x9  }
0xb1: {  	_ =	task.clear_ibuf [dreg:s6], $0x5FFFF;
	_ =	strace $0x90000046  }
0xb2: {  	s29 =	simm.s32 $0x9;
	_ =	strace $0x80000048  }
0xb3: {  	_ =	swait.ge [sflag:s29], $0x1  }
0xb4: {  	[sflag:s29] =	ssyncadd.s32 $0xFFFFFFFF  }
0xb5: {  	_ =	strace $0x90000048  }
0xb6: {  	_ =	sfence  }
0xb7: {  	s30 =	sld [smem:$0x0];
	_ =	sdelay $0x2  }
0xb8: {  	s31 =	sshll.u32 s1, $0xD;
	s1 =	sshrl.u32 s1, $0x2  }
0xb9: {  	s3 =	sand.u32 $0x4000, s31;
	s1 =	sadd.s32 s1, s30  }
0xba: {  	s0 =	sor.u32 s3, s0;
	s1 =	sshll.u32 s1, $0x11  }
0xbb: {  	s0 =	sor.u32 s1, s0  }
0xbc: {  	s0 =	sadd.s32 $0x8F2B, s0  }
0xbd: {  	[sflag:s0] =	ssyncadd.remote.s32 $0x1  }
0xbe: {  	_ =	sfence.sel $0xFFFF  }
0xbf: {  	[dreg:$0x0] =	wrdreg $0xFFFFFFFF;
	(pc) =	sbr.abs _section_cstart, $3  }
0xc0: {  	[dreg:$0x1] =	wrdreg $0xFFFFFFFF  }
0xc1: {  	_ =	task.clear_ibuf [dreg:s6], $0x2FFFF;
	_ =	strace $0x9FFFFFFF  }
0xc2: {  	(tm) =	ssettm $0x7FFFFFFF  }
0xc3: {  	_ =	shalt  }
tec
execute0_lowered:
.L_overlay_start_1:
0x0: {  	(tag) =	ssettag $0x1  }
0x1: {  	s1 =	srdreg.scid;
	s4 =	rddreg [dreg:$0x0]  }
0x2: {  	s0 =	stileid.u32;
	s5 =	rddreg [dreg:$0x1];
	s2 =	simm.s32 $0x0  }
0x3: {  	s11 =	simm.s32 $0x400;
	s12 =	simm.s32 $0x3E80;
	s13 =	simm.s32 $0x3C00  }
0x4: {  	s14 =	simm.s32 $0x0;
	s3 =	sand.u32 $0x1, s1;
	s25 =	sshll.u32 s0, $0x1  }
0x5: {  	[smem:$0x7FF] =	sst s2;
	s8 =	smul.u32 $0x280, s0;
	s26 =	sshrl.u32 s0, $0x3  }
0x6: {  	s9 =	smul.u32 $0x5000, s0;
	s29 =	sshll.u32 s0, $0x7;
	s1 =	sor.u32 s3, s25  }
0x7: {  	s7 =	smul.u32 $0x2800, s3;
	s3 =	ssub.s32 $0x2, s3;
	s31 =	sand.u32 $0x380, s29  }
0x8: {  	s6 =	smul.u32 $0x278, s1;
	s1 =	rddreg [dreg:$0x2];
	_ =	strace $0x80000047  }
0x9: {  	s28 =	sshrl.u32 s3, $0x1;
	s7 =	sadd.s32 s8, s7;
	s8 =	smul.u32 $0x50000, s26  }
0xa: {  	s9 =	sshrl.u32 s9, $0x2;
	s10 =	ssub.s32 s3, s28;
	s7 =	sshrl.u32 s7, $0x3  }
0xb: {  	s6 =	sadd.s32 s6, s4;
	s7 =	sadd.s32 s7, s4;
	s30 =	sshrl.u32 s8, $0x2  }
0xc: {  	s3 =	sadd.s32 $0x1C00, s6;
	s8 =	simm.s32 $0x1;
	s4 =	sadd.s32 s30, s5  }
0xd: {  	s5 =	sadd.s32 s9, s5;
	s6 =	sadd.s32 $0x6C00, s7;
	s7 =	smax.u32 s10, $0x1  }
0xe: {  	v0 =	vimm.f32 $0.0e+00;
	v1 =	vimm.f32 $1.000000000e+00;
	s9 =	simm.s32 $0x1400;
	s10 =	simm.s32 $0x80;
	s4 =	sadd.s32 s31, s4  }
.LBB2_1:
0xf: {  	[tilespmem:s2], [sflag:$0x1] =	stream.linear.gather [hbm4b:s3+s2], $0x13C0, $0x38;
	[tilespmem:$0x6900] =	vst v63  }
0x10: {  	_ =	swait.ge [sflag:s8], $0x13C0  }
0x11: {  	[sflag:s8] =	ssyncset.done $0x0  }
0x12: {  	s15 =	simm.s32 $0x0;
	[sflag:s8] =	ssyncadd.s32 $0xFFFFEC40  }
.LBB2_2:
0x13: {  	p0 =	sne.s32 s15, $0x9F00  }
.Ltmp0:
0x14: {  	s16 =	sshra.s32 s15, $0x2;
	(pc) =	sbr.rel @p0 .LBB2_2-.Ltmp0, $4  }
0x15: {  	[tilespmem:s16+$0x1400] =	vst v0  }
0x16: {  	[tilespmem:s16+$0x1410] =	vst v0  }
0x17: {  	[tilespmem:s16+$0x1420] =	vst v0  }
0x18: {  	s15 =	sadd.s32 $0x100, s15;
	[tilespmem:s16+$0x1430] =	vst v0  }
0x19: {  	s15 =	simm.s32 $0x0  }
.LBB2_4:
0x1a: {  	s16 =	sshra.s32 s15, $0x2  }
0x1b: {  	v2 =	vld [tilespmem:s16+$0x0];
	_ =	sdelay $0x7  }
0x1c: {  	[tilespmem:v2+s9+$0x0] =	vst.idx.add.f32.msk $0xffff, v1  }
0x1d: {  	v2 =	vld [tilespmem:s16+$0x10];
	_ =	sdelay $0x7  }
0x1e: {  	[tilespmem:v2+s9+$0x0] =	vst.idx.add.f32.msk $0xffff, v1  }
0x1f: {  	v2 =	vld [tilespmem:s16+$0x20];
	_ =	sdelay $0x7  }
0x20: {  	[tilespmem:v2+s9+$0x0] =	vst.idx.add.f32.msk $0xffff, v1  }
0x21: {  	v2 =	vld [tilespmem:s16+$0x30];
	_ =	sdelay $0x2  }
0x22: {  	p0 =	sne.s32 s15, $0x4E00  }
.Ltmp1:
0x23: {  	_ = 	snop;
	(pc) =	sbr.rel @p0 .LBB2_4-.Ltmp1, $2  }
0x24: {  	_ =	sdelay $0x2  }
0x25: {  	s15 =	sadd.s32 $0x100, s15;
	[tilespmem:v2+s9+$0x0] =	vst.idx.add.f32.msk $0xffff, v1  }
0x26: {  	[spmem:s4] =	stream.strided.scatter [tilespmem:s9], [sflag:$0x1], $0x2800, s11, s10, $0x38;
	[tilespmem:$0x6900] =	vst v63  }
0x27: {  	_ =	swait.ge [sflag:s8], $0x2800  }
0x28: {  	[sflag:s8] =	ssyncset.done $0x0  }
0x29: {  	[sflag:s8] =	ssyncadd.s32 $0xFFFFD800  }
0x2a: {  	[bflag:$0x0] =	sbarrier.arrive $0xFFFF  }
0x2b: {  	[tilespmem:$0x3C00] =	vst v0  }
0x2c: {  	[tilespmem:$0x3C10] =	vst v0  }
0x2d: {  	[tilespmem:$0x3C20] =	vst v0  }
0x2e: {  	[tilespmem:$0x3C30] =	vst v0  }
0x2f: {  	[tilespmem:$0x3C40] =	vst v0  }
0x30: {  	[tilespmem:$0x3C50] =	vst v0  }
0x31: {  	[tilespmem:$0x3C60] =	vst v0  }
0x32: {  	[tilespmem:$0x3C70] =	vst v0  }
0x33: {  	[tilespmem:$0x3C80] =	vst v0  }
0x34: {  	[tilespmem:$0x3C90] =	vst v0  }
0x35: {  	[tilespmem:$0x3CA0] =	vst v0  }
0x36: {  	[tilespmem:$0x3CB0] =	vst v0  }
0x37: {  	[tilespmem:$0x3CC0] =	vst v0  }
0x38: {  	[tilespmem:$0x3CD0] =	vst v0  }
0x39: {  	[tilespmem:$0x3CE0] =	vst v0  }
0x3a: {  	[tilespmem:$0x3CF0] =	vst v0  }
0x3b: {  	[tilespmem:$0x3D00] =	vst v0  }
0x3c: {  	[tilespmem:$0x3D10] =	vst v0  }
0x3d: {  	[tilespmem:$0x3D20] =	vst v0  }
0x3e: {  	[tilespmem:$0x3D30] =	vst v0  }
0x3f: {  	[tilespmem:$0x3D40] =	vst v0  }
0x40: {  	[tilespmem:$0x3D50] =	vst v0  }
0x41: {  	[tilespmem:$0x3D60] =	vst v0  }
0x42: {  	[tilespmem:$0x3D70] =	vst v0  }
0x43: {  	[tilespmem:$0x3D80] =	vst v0  }
0x44: {  	[tilespmem:$0x3D90] =	vst v0  }
0x45: {  	[tilespmem:$0x3DA0] =	vst v0  }
0x46: {  	[tilespmem:$0x3DB0] =	vst v0  }
0x47: {  	[tilespmem:$0x3DC0] =	vst v0  }
0x48: {  	[tilespmem:$0x3DD0] =	vst v0  }
0x49: {  	[tilespmem:$0x3DE0] =	vst v0  }
0x4a: {  	[tilespmem:$0x3DF0] =	vst v0  }
0x4b: {  	[tilespmem:$0x3E00] =	vst v0  }
0x4c: {  	[tilespmem:$0x3E10] =	vst v0  }
0x4d: {  	[tilespmem:$0x3E20] =	vst v0  }
0x4e: {  	[tilespmem:$0x3E30] =	vst v0  }
0x4f: {  	[tilespmem:$0x3E40] =	vst v0  }
0x50: {  	[tilespmem:$0x3E50] =	vst v0  }
0x51: {  	[tilespmem:$0x3E60] =	vst v0  }
0x52: {  	s15 =	simm.s32 $0x0;
	s16 =	simm.s32 $0x0;
	[tilespmem:$0x3E70] =	vst v0  }
.LBB2_6:
0x53: {  	s17 =	sshrl.u32 s16, $0x3  }
0x54: {  	s17 =	smul.u32 $0x50000, s17;
	_ =	sdelay $0x1  }
0x55: {  	s17 =	sshra.s32 s17, $0x2  }
0x56: {  	s18 =	sand.u32 $0x380, s15;
	s17 =	sadd.s32 s17, s5  }
0x57: {  	s17 =	sadd.s32 s18, s17  }
0x58: {  	[tilespmem:s12], [sflag:$0x1] =	stream.strided.gather [spmem:s17], $0x280, s11, s10, $0x38;
	[tilespmem:$0x6900] =	vst v63  }
0x59: {  	_ =	swait.ge [sflag:s8], $0x280  }
0x5a: {  	[sflag:s8] =	ssyncset.done $0x0  }
0x5b: {  	[sflag:s8] =	ssyncadd.s32 $0xFFFFFD80  }
0x5c: {  	v2 =	vld [tilespmem:$0x3C00]  }
0x5d: {  	v3 =	vld [tilespmem:$0x3E80]  }
0x5e: {  	v4 =	vld [tilespmem:$0x3C10]  }
0x5f: {  	v5 =	vld [tilespmem:$0x3E90]  }
0x60: {  	v6 =	vld [tilespmem:$0x3C20]  }
0x61: {  	v7 =	vld [tilespmem:$0x3EA0]  }
0x62: {  	v8 =	vld [tilespmem:$0x3C30]  }
0x63: {  	v9 =	vld [tilespmem:$0x3EB0]  }
0x64: {  	v10 =	vld [tilespmem:$0x3C40]  }
0x65: {  	v11 =	vld [tilespmem:$0x3EC0]  }
0x66: {  	v12 =	vld [tilespmem:$0x3C50]  }
0x67: {  	v13 =	vld [tilespmem:$0x3ED0]  }
0x68: {  	v14 =	vld [tilespmem:$0x3C60]  }
0x69: {  	v15 =	vld [tilespmem:$0x3EE0]  }
0x6a: {  	v16 =	vld [tilespmem:$0x3C70]  }
0x6b: {  	v17 =	vld [tilespmem:$0x3EF0]  }
0x6c: {  	v18 =	vld [tilespmem:$0x3C80]  }
0x6d: {  	v19 =	vld [tilespmem:$0x3F00]  }
0x6e: {  	v20 =	vld [tilespmem:$0x3C90]  }
0x6f: {  	v21 =	vld [tilespmem:$0x3F10]  }
0x70: {  	v22 =	vld [tilespmem:$0x3CA0]  }
0x71: {  	v23 =	vld [tilespmem:$0x3F20]  }
0x72: {  	v24 =	vld [tilespmem:$0x3CB0]  }
0x73: {  	v25 =	vld [tilespmem:$0x3F30]  }
0x74: {  	v26 =	vld [tilespmem:$0x3CC0]  }
0x75: {  	v27 =	vld [tilespmem:$0x3F40]  }
0x76: {  	v28 =	vld [tilespmem:$0x3CD0]  }
0x77: {  	v29 =	vld [tilespmem:$0x3F50]  }
0x78: {  	v30 =	vld [tilespmem:$0x3CE0]  }
0x79: {  	v31 =	vld [tilespmem:$0x3F60]  }
0x7a: {  	v32 =	vld [tilespmem:$0x3CF0]  }
0x7b: {  	v33 =	vld [tilespmem:$0x3F70]  }
0x7c: {  	v34 =	vld [tilespmem:$0x3D00]  }
0x7d: {  	v35 =	vld [tilespmem:$0x3F80]  }
0x7e: {  	v36 =	vld [tilespmem:$0x3D10]  }
0x7f: {  	v37 =	vld [tilespmem:$0x3F90]  }
0x80: {  	v38 =	vld [tilespmem:$0x3D20]  }
0x81: {  	v39 =	vld [tilespmem:$0x3FA0]  }
0x82: {  	v40 =	vld [tilespmem:$0x3D30]  }
0x83: {  	v41 =	vld [tilespmem:$0x3FB0]  }
0x84: {  	v42 =	vld [tilespmem:$0x3D40]  }
0x85: {  	v43 =	vld [tilespmem:$0x3FC0]  }
0x86: {  	v44 =	vld [tilespmem:$0x3D50]  }
0x87: {  	v45 =	vld [tilespmem:$0x3FD0]  }
0x88: {  	v46 =	vld [tilespmem:$0x3D60]  }
0x89: {  	v47 =	vld [tilespmem:$0x3D70];
	v2 =	vadd.f32 v3, v2  }
0x8a: {  	v48 =	vld [tilespmem:$0x3FF0];
	v4 =	vadd.f32 v5, v4  }
0x8b: {  	v50 =	vld [tilespmem:$0x3D80];
	[tilespmem:$0x3C00] =	vst v2;
	v2 =	vadd.f32 v7, v6  }
0x8c: {  	v51 =	vld [tilespmem:$0x4000];
	v49 =	vadd.f32 v9, v8;
	[tilespmem:$0x3C10] =	vst v4  }
0x8d: {  	v53 =	vld [tilespmem:$0x3D90];
	[tilespmem:$0x3C20] =	vst v2;
	v2 =	vadd.f32 v11, v10  }
0x8e: {  	v54 =	vld [tilespmem:$0x4010];
	v52 =	vadd.f32 v13, v12;
	[tilespmem:$0x3C30] =	vst v49  }
0x8f: {  	v56 =	vld [tilespmem:$0x3DA0];
	[tilespmem:$0x3C40] =	vst v2;
	v2 =	vadd.f32 v15, v14  }
0x90: {  	v57 =	vld [tilespmem:$0x4020];
	v55 =	vadd.f32 v17, v16;
	[tilespmem:$0x3C50] =	vst v52  }
0x91: {  	v59 =	vld [tilespmem:$0x3DB0];
	[tilespmem:$0x3C60] =	vst v2;
	v2 =	vadd.f32 v19, v18  }
0x92: {  	v60 =	vld [tilespmem:$0x4030];
	v58 =	vadd.f32 v21, v20;
	[tilespmem:$0x3C70] =	vst v55  }
0x93: {  	v62 =	vld [tilespmem:$0x3DC0];
	[tilespmem:$0x3C80] =	vst v2;
	v2 =	vadd.f32 v23, v22  }
0x94: {  	v63 =	vld [tilespmem:$0x4040];
	v61 =	vadd.f32 v25, v24;
	[tilespmem:$0x3C90] =	vst v58  }
0x95: {  	v3 =	vld [tilespmem:$0x3FE0];
	[tilespmem:$0x3CA0] =	vst v2;
	v2 =	vadd.f32 v27, v26  }
0x96: {  	v28 =	vadd.f32 v29, v28;
	v29 =	vld [tilespmem:$0x3DD0];
	[tilespmem:$0x3CB0] =	vst v61  }
0x97: {  	v32 =	vadd.f32 v33, v32;
	v33 =	vld [tilespmem:$0x3DE0];
	[tilespmem:$0x3CC0] =	vst v2;
	v2 =	vadd.f32 v31, v30  }
0x98: {  	v36 =	vadd.f32 v37, v36;
	v37 =	vld [tilespmem:$0x3DF0];
	[tilespmem:$0x3CD0] =	vst v28  }
0x99: {  	v40 =	vadd.f32 v41, v40;
	v41 =	vld [tilespmem:$0x3E00];
	[tilespmem:$0x3CE0] =	vst v2;
	v2 =	vadd.f32 v35, v34  }
0x9a: {  	v44 =	vadd.f32 v45, v44;
	v45 =	vld [tilespmem:$0x3E10];
	[tilespmem:$0x3CF0] =	vst v32  }
0x9b: {  	v47 =	vadd.f32 v48, v47;
	v48 =	vld [tilespmem:$0x3E20];
	[tilespmem:$0x3D00] =	vst v2;
	v2 =	vadd.f32 v39, v38  }
0x9c: {  	[tilespmem:$0x3D10] =	vst v36;
	v49 =	vld [tilespmem:$0x40A0]  }
0x9d: {  	v52 =	vld [tilespmem:$0x40B0];
	[tilespmem:$0x3D20] =	vst v2;
	v2 =	vadd.f32 v43, v42  }
0x9e: {  	[tilespmem:$0x3D30] =	vst v40;
	v55 =	vld [tilespmem:$0x40C0]  }
0x9f: {  	v58 =	vld [tilespmem:$0x40D0];
	[tilespmem:$0x3D40] =	vst v2;
	v2 =	vadd.f32 v3, v46  }
0xa0: {  	[tilespmem:$0x3D50] =	vst v44;
	v39 =	vld [tilespmem:$0x4070]  }
0xa1: {  	v61 =	vld [tilespmem:$0x40E0];
	[tilespmem:$0x3D60] =	vst v2;
	v2 =	vadd.f32 v51, v50  }
0xa2: {  	[tilespmem:$0x3D70] =	vst v47;
	v31 =	vld [tilespmem:$0x4050];
	v50 =	vadd.f32 v54, v53  }
0xa3: {  	v35 =	vld [tilespmem:$0x4060];
	v53 =	vadd.f32 v60, v59;
	[tilespmem:$0x3D80] =	vst v2  }
0xa4: {  	v3 =	vld [tilespmem:$0x4090];
	v2 =	vadd.f32 v57, v56;
	[tilespmem:$0x3D90] =	vst v50  }
0xa5: {  	v43 =	vld [tilespmem:$0x4080];
	v59 =	vadd.f32 v39, v37;
	[tilespmem:$0x3DB0] =	vst v53  }
0xa6: {  	v51 =	vld [tilespmem:$0x3E30];
	[tilespmem:$0x3DA0] =	vst v2;
	v2 =	vadd.f32 v63, v62  }
0xa7: {  	v54 =	vld [tilespmem:$0x3E40];
	v56 =	vadd.f32 v31, v29;
	[tilespmem:$0x3DF0] =	vst v59  }
0xa8: {  	v57 =	vld [tilespmem:$0x3E50];
	[tilespmem:$0x3DC0] =	vst v2;
	v2 =	vadd.f32 v35, v33  }
0xa9: {  	v3 =	vadd.f32 v3, v45;
	[tilespmem:$0x3DD0] =	vst v56;
	v62 =	vld [tilespmem:$0x3E70]  }
0xaa: {  	v63 =	vld [tilespmem:$0x40F0];
	[tilespmem:$0x3DE0] =	vst v2;
	v2 =	vadd.f32 v43, v41  }
0xab: {  	v60 =	vld [tilespmem:$0x3E60];
	[tilespmem:$0x3E10] =	vst v3;
	v3 =	vadd.f32 v52, v51  }
0xac: {  	[tilespmem:$0x3E00] =	vst v2;
	v2 =	vadd.f32 v49, v48  }
0xad: {  	p0 =	sne.s32 s16, $0xF;
	[tilespmem:$0x3E30] =	vst v3;
	v3 =	vadd.f32 v58, v57  }
.Ltmp2:
0xae: {  	[tilespmem:$0x3E20] =	vst v2;
	v2 =	vadd.f32 v55, v54;
	(pc) =	sbr.rel @p0 .LBB2_6-.Ltmp2, $4  }
0xaf: {  	[tilespmem:$0x3E50] =	vst v3;
	v3 =	vadd.f32 v63, v62  }
0xb0: {  	[tilespmem:$0x3E40] =	vst v2;
	v2 =	vadd.f32 v61, v60  }
0xb1: {  	[tilespmem:$0x3E70] =	vst v3  }
0xb2: {  	s15 =	sadd.s32 $0x80, s15;
	s16 =	sadd.s32 $0x1, s16;
	[tilespmem:$0x3E60] =	vst v2  }
0xb3: {  	s14 =	sadd.s32 $0x1, s14  }
0xb4: {  	p0 =	sne.s32 s14, s7  }
.Ltmp3:
0xb5: {  	_ = 	snop;
	(pc) =	sbr.rel @p0 .LBB2_1-.Ltmp3, $4  }
0xb6: {  	[hbm4b:s6+s2] =	stream.linear.scatter [tilespmem:s13], [sflag:$0x1], $0x280, $0x38;
	[tilespmem:$0x6900] =	vst v63  }
0xb7: {  	_ =	swait.ge [sflag:s8], $0x280  }
0xb8: {  	[sflag:s8] =	ssyncset.done $0x0  }
0xb9: {  	[sflag:s8] =	ssyncadd.s32 $0xFFFFFD80  }
0xba: {  	_ =	sfence.sel $0x180000  }
0xbb: {  	[bflag:$0x0] =	sbarrier.arrive $0xFFFF  }
0xbc: {  	p0 =	sne.s32 s0, $0x0;
	_ =	strace $0x90000047  }
0xbd: {  	s0 =	sadd.s32 @!p0 $0x100000, s1;
	[bflag:$0x2] =	sbarrier.arrive $0xFFFF  }
0xbe: {  	[sflag:s0] =	ssyncadd.tile.s32 @!p0 $0x1;
	_ =	shalt  }
.Lfunc_end2:
_tile_overlayer_lowered:
.L_overlay_start_2:
0xbf: {  	(tag) =	ssettag $0x2  }
0xc0: {  	s0 =	rddreg [dreg:$0x0];
	s2 =	stileid.u32  }
0xc1: {  	s1 =	rddreg [dreg:$0x1];
	p0 =	sne.s32 s2, $0x0  }
0xc2: {  	s3 =	rddreg [dreg:$0x2];
	[bflag:$0x3] =	sbarrier.arrive $0xFFFF;
	s2 =	simm.s32 @!p0 $0x1C01  }
0xc3: {  	[timem:s3], [sflag:s2] =	dma.local @!p0 [hbm:s0], s1  }
0xc4: {  	s0 =	simm.s32 @!p0 $0x1  }
0xc5: {  	_ =	swait.ge @!p0 [sflag:s0], s1  }
0xc6: {  	s1 =	ssub.s32 @!p0 $0x0, s1;
	[sflag:s0] =	ssyncset.done @!p0 $0x0  }
0xc7: {  	[sflag:s0] =	ssyncadd.s32 @!p0 s1  }
0xc8: {  	[bflag:$0x3] =	sbarrier.arrive $0xFFFF  }
0xc9: {  	_ =	shalt  }

</sc_bundles>
